<compile_context>
chip_gen: v7x
topology: tpu7x:2x2x1
jax: 0.10.2.dev20260603
libtpu: 0.0.44.dev20260713+nightly
codegen_flags: <defaults>
</compile_context>

<pallas_src>
import functools

import jax
import jax.numpy as jnp
from jax import lax
from jax.experimental import pallas as pl
from jax.experimental.pallas import tpu as pltpu
from jax.experimental.pallas import tpu_sc as plsc

D = 64
CHUNK = 128
NC = 2
NS = 16
NW = NC * NS
B0, B1 = 4096, 200
N = B0 * B1
PER_W = N // NW
NCHUNK = PER_W // CHUNK
NBUF = 4
GROUP_ROWS = NBUF * CHUNK
NGROUPS = NCHUNK // NBUF
V = 8192
VS = V // NS

_mesh = plsc.VectorSubcoreMesh(core_axis_name="c", subcore_axis_name="s")


@functools.partial(
    pl.kernel,
    mesh=_mesh,
    out_type=jax.ShapeDtypeStruct((N, D), jnp.float32),
    scratch_types=[
        pltpu.VMEM((NCHUNK, CHUNK), jnp.int32),
        pltpu.VMEM((GROUP_ROWS, D), jnp.float32),
        pltpu.VMEM((GROUP_ROWS, D), jnp.float32),
        pltpu.VMEM_SHARED((V, D), jnp.float32),
        pltpu.SemaphoreType.DMA,
        pltpu.SemaphoreType.DMA,
    ],
    compiler_params=pltpu.CompilerParams(use_tc_tiling_on_sc=False),
)
def _pe_gather(x_hbm, pe_hbm, out_hbm, idx_v, rows0, rows1, table_sp,
               gsem, wsem):
    s = lax.axis_index("s")
    wid = s * NC + lax.axis_index("c")
    base = wid * PER_W
    pltpu.sync_copy(pe_hbm.at[pl.ds(s * VS, VS)],
                    table_sp.at[pl.ds(s * VS, VS)])
    pltpu.sync_copy(x_hbm.at[wid], idx_v)
    plsc.subcore_barrier()

    def g_copy(K, buf, b):
        return pltpu.make_async_copy(
            table_sp.at[idx_v.at[K * NBUF + b]],
            buf.at[pl.ds(b * CHUNK, CHUNK)],
            gsem,
        )

    def w_copy(K, buf):
        return pltpu.make_async_copy(
            buf,
            out_hbm.at[pl.ds(base + K * GROUP_ROWS, GROUP_ROWS)],
            wsem,
        )

    def start_g(K, buf):
        for b in range(NBUF):
            g_copy(K, buf, b).start()

    def drain_g(K, buf):
        for b in range(NBUF):
            g_copy(K, buf, b).wait()

    start_g(0, rows0)
    drain_g(0, rows0)
    start_g(1, rows1)
    w_copy(0, rows0).start()

    def body(KK, carry):
        k1 = 2 * KK + 1
        drain_g(k1, rows1)
        w_copy(k1 - 1, rows0).wait()
        start_g(k1 + 1, rows0)
        w_copy(k1, rows1).start()
        k2 = k1 + 1
        drain_g(k2, rows0)
        w_copy(k2 - 1, rows1).wait()
        start_g(k2 + 1, rows1)
        w_copy(k2, rows0).start()
        return carry

    lax.fori_loop(0, (NGROUPS - 2) // 2, body, 0)

    k_last = NGROUPS - 1
    drain_g(k_last, rows1)
    w_copy(k_last - 1, rows0).wait()
    w_copy(k_last, rows1).start()
    w_copy(k_last, rows1).wait()


def kernel(x, pe):
    xi = x.reshape(NW, NCHUNK, CHUNK).astype(jnp.int32)
    out = _pe_gather(xi, pe)
    return out.reshape(B0, B1, D)

# --- scband reference (transcript-rebuilt; emitter-appended) ---
"""Pipeline reference for scband-positional-encoding-32203664785600 (READ-ONLY COPY).

The authoritative reference and input builder live on the scoring server;
editing this copy changes nothing except your own understanding.
"""

import math
import jax, jax.numpy as jnp
import numpy as np


def _build_pe(max_len, d_model):
    position = jnp.arange(max_len, dtype=jnp.float32)[:, None]
    div_term = jnp.exp(jnp.arange(0, d_model, 2, dtype=jnp.float32) * (-math.log(10000.0) / d_model))
    pe = jnp.zeros((max_len, d_model), dtype=jnp.float32)
    pe = pe.at[:, 0::2].set(jnp.sin(position * div_term))
    pe = pe.at[:, 1::2].set(jnp.cos(position * div_term))
    return pe


def setup_inputs(seed: int = 0) -> dict:
    key = jax.random.key(seed)
    d_model = 64
    max_len = 8192
    pe = _build_pe(max_len, d_model)
    x = jax.random.randint(key, (4096, 200), 0, max_len)
    return {"x": x, "pe": pe}


def reference(x, pe):
    # Faithful translation of PositionalEncoding.forward: pe[x]
    return jnp.take(pe, x, axis=0)

if __name__ == "__main__":
    import jax
    _d = setup_inputs()
    print(jax.jit(kernel)(*tuple(_d.values())))

</pallas_src>

<mosaic_0001>
#map = affine_map<(d0, d1) -> (0, 0, 0)>
#map1 = affine_map<(d0, d1) -> (0, 0)>
module attributes {stable_mosaic.version = 14 : i64} {
  func.func @_pe_gather(%arg0: i32, %arg1: i32, %arg2: memref<32x200x128xi32, #tpu.memory_space<hbm>>, %arg3: memref<8192x64xf32, #tpu.memory_space<hbm>>, %arg4: memref<819200x64xf32, #tpu.memory_space<hbm>>, %arg5: memref<200x128xi32, #tpu.memory_space<vmem>>, %arg6: memref<512x64xf32, #tpu.memory_space<vmem>>, %arg7: memref<512x64xf32, #tpu.memory_space<vmem>>, %arg8: memref<8192x64xf32, #tpu.memory_space<vmem_shared>>, %arg9: memref<!tpu.dma_semaphore, #tpu.memory_space<semaphore_mem>>, %arg10: memref<!tpu.dma_semaphore, #tpu.memory_space<semaphore_mem>>) attributes {dimension_semantics = [#tpu.dimension_semantics<core_parallel>, #tpu.dimension_semantics<subcore_parallel>], iteration_bounds = array<i64: 2, 16>, scalar_prefetch = 0 : i64, scratch_operands = 6 : i64, tpu.core_type = #tpu.core_type<sc_vector_subcore>, window_params = [{transform_indices = #map}, {transform_indices = #map1}, {transform_indices = #map1}]} {
    %mul3A = arith.constant 2 : i32
    %mul3A_0 = arith.muli %arg1, %mul3A : i32
    %add3A = arith.addi %mul3A_0, %arg0 : i32
    %mul3A_1 = arith.constant 25600 : i32
    %mul3A_2 = arith.muli %add3A, %mul3A_1 : i32
    %mul3A_3 = arith.constant 512 : i32
    %mul3A_4 = arith.muli %arg1, %mul3A_3 : i32
    %mul3A_5 = arith.constant 512 : i32
    %mul3A_6 = arith.muli %arg1, %mul3A_5 : i32
    "tpu.region"() ({
      %run_scoped3A = tpu.sem_alloc : memref<!tpu.dma_semaphore, #tpu.memory_space<semaphore_mem>>
      %dma_start3A_194 = arith.constant 0 : i32
      %dma_start3A_195 = tpu.memref_slice %arg8[%mul3A_6, %dma_start3A_194] : memref<8192x64xf32, #tpu.memory_space<vmem_shared>> -> memref<512x64xf32, #tpu.memory_space<vmem_shared>>
      %dma_start3A_196 = arith.constant 0 : i32
      %dma_start3A_197 = tpu.memref_slice %arg3[%mul3A_4, %dma_start3A_196] : memref<8192x64xf32, #tpu.memory_space<hbm>> -> memref<512x64xf32, #tpu.memory_space<hbm>>
      tpu.enqueue_dma source(%dma_start3A_197 : memref<512x64xf32, #tpu.memory_space<hbm>>) target(%dma_start3A_195 : memref<512x64xf32, #tpu.memory_space<vmem_shared>>) target_semaphore(%run_scoped3A : memref<!tpu.dma_semaphore, #tpu.memory_space<semaphore_mem>>)
      %dma_wait3A_198 = arith.constant 0 : i32
      %dma_wait3A_199 = tpu.memref_slice %arg8[%mul3A_6, %dma_wait3A_198] : memref<8192x64xf32, #tpu.memory_space<vmem_shared>> -> memref<512x64xf32, #tpu.memory_space<vmem_shared>>
      %dma_wait3A_200 = arith.constant 0 : i32
      %dma_wait3A_201 = tpu.memref_slice %arg3[%mul3A_4, %dma_wait3A_200] : memref<8192x64xf32, #tpu.memory_space<hbm>> -> memref<512x64xf32, #tpu.memory_space<hbm>>
      tpu.wait_dma2 semaphore(%run_scoped3A : memref<!tpu.dma_semaphore, #tpu.memory_space<semaphore_mem>>) src(%dma_wait3A_201 : memref<512x64xf32, #tpu.memory_space<hbm>>) dst(%dma_wait3A_199 : memref<512x64xf32, #tpu.memory_space<vmem_shared>>)
      tpu.yield
    }) : () -> ()
    "tpu.region"() ({
      %run_scoped3A = tpu.sem_alloc : memref<!tpu.dma_semaphore, #tpu.memory_space<semaphore_mem>>
      %dma_start3A_194 = arith.constant 0 : i32
      %dma_start3A_195 = arith.constant 0 : i32
      %dma_start3A_196 = tpu.memref_slice %arg2[%add3A, %dma_start3A_194, %dma_start3A_195] : memref<32x200x128xi32, #tpu.memory_space<hbm>> -> memref<1x200x128xi32, #tpu.memory_space<hbm>>
      %dma_start3A_197 = tpu.memref_squeeze %dma_start3A_196 : memref<1x200x128xi32, #tpu.memory_space<hbm>> -> memref<200x128xi32, #tpu.memory_space<hbm>>
      %dma_start3A_198 = arith.constant 0 : i32
      %dma_start3A_199 = arith.constant 0 : i32
      %dma_start3A_200 = tpu.memref_slice %arg2[%add3A, %dma_start3A_198, %dma_start3A_199] : memref<32x200x128xi32, #tpu.memory_space<hbm>> -> memref<1x200x128xi32, #tpu.memory_space<hbm>>
      %dma_start3A_201 = tpu.memref_squeeze %dma_start3A_200 : memref<1x200x128xi32, #tpu.memory_space<hbm>> -> memref<200x128xi32, #tpu.memory_space<hbm>>
      tpu.enqueue_dma source(%dma_start3A_201 : memref<200x128xi32, #tpu.memory_space<hbm>>) target(%arg5 : memref<200x128xi32, #tpu.memory_space<vmem>>) target_semaphore(%run_scoped3A : memref<!tpu.dma_semaphore, #tpu.memory_space<semaphore_mem>>)
      %dma_wait3A_202 = arith.constant 0 : i32
      %dma_wait3A_203 = arith.constant 0 : i32
      %dma_wait3A_204 = tpu.memref_slice %arg2[%add3A, %dma_wait3A_202, %dma_wait3A_203] : memref<32x200x128xi32, #tpu.memory_space<hbm>> -> memref<1x200x128xi32, #tpu.memory_space<hbm>>
      %dma_wait3A_205 = tpu.memref_squeeze %dma_wait3A_204 : memref<1x200x128xi32, #tpu.memory_space<hbm>> -> memref<200x128xi32, #tpu.memory_space<hbm>>
      %dma_wait3A_206 = arith.constant 0 : i32
      %dma_wait3A_207 = arith.constant 0 : i32
      %dma_wait3A_208 = tpu.memref_slice %arg2[%add3A, %dma_wait3A_206, %dma_wait3A_207] : memref<32x200x128xi32, #tpu.memory_space<hbm>> -> memref<1x200x128xi32, #tpu.memory_space<hbm>>
      %dma_wait3A_209 = tpu.memref_squeeze %dma_wait3A_208 : memref<1x200x128xi32, #tpu.memory_space<hbm>> -> memref<200x128xi32, #tpu.memory_space<hbm>>
      tpu.wait_dma2 semaphore(%run_scoped3A : memref<!tpu.dma_semaphore, #tpu.memory_space<semaphore_mem>>) src(%dma_wait3A_209 : memref<200x128xi32, #tpu.memory_space<hbm>>) dst(%arg5 : memref<200x128xi32, #tpu.memory_space<vmem>>)
      tpu.yield
    }) : () -> ()
    %barrier3A = arith.constant 0 : index
    tpu.barrier barrier_id(%barrier3A)
    %dma_start3A = arith.constant 0 : i32
    %dma_start3A_7 = arith.constant 0 : i32
    %dma_start3A_8 = arith.constant 0 : i32
    %dma_start3A_9 = tpu.memref_slice %arg6[%dma_start3A_7, %dma_start3A_8] : memref<512x64xf32, #tpu.memory_space<vmem>> -> memref<128x64xf32, #tpu.memory_space<vmem>>
    %dma_start3A_10 = arith.constant 0 : i32
    %dma_start3A_11 = tpu.memref_slice %arg5[%dma_start3A, %dma_start3A_10] : memref<200x128xi32, #tpu.memory_space<vmem>> -> memref<1x128xi32, #tpu.memory_space<vmem>>
    %dma_start3A_12 = tpu.memref_squeeze %dma_start3A_11 : memref<1x128xi32, #tpu.memory_space<vmem>> -> memref<128xi32, #tpu.memory_space<vmem>>
    %dma_start3A_13 = arith.constant 0 : i32
    %dma_start3A_14 = arith.constant 0 : i32
    %dma_start3A_15 = tpu.memref_slice %arg8[%dma_start3A_13, %dma_start3A_14] : memref<8192x64xf32, #tpu.memory_space<vmem_shared>> -> memref<8192x64xf32, #tpu.memory_space<vmem_shared>>
    tpu.enqueue_indirect_dma source(%dma_start3A_15 : memref<8192x64xf32, #tpu.memory_space<vmem_shared>>) target(%dma_start3A_9 : memref<128x64xf32, #tpu.memory_space<vmem>>) offsets(%dma_start3A_12 : memref<128xi32, #tpu.memory_space<vmem>>) semaphore(%arg9 : memref<!tpu.dma_semaphore, #tpu.memory_space<semaphore_mem>>)
    %dma_start3A_16 = arith.constant 1 : i32
    %dma_start3A_17 = arith.constant 128 : i32
    %dma_start3A_18 = arith.constant 0 : i32
    %dma_start3A_19 = tpu.memref_slice %arg6[%dma_start3A_17, %dma_start3A_18] : memref<512x64xf32, #tpu.memory_space<vmem>> -> memref<128x64xf32, #tpu.memory_space<vmem>>
    %dma_start3A_20 = arith.constant 0 : i32
    %dma_start3A_21 = tpu.memref_slice %arg5[%dma_start3A_16, %dma_start3A_20] : memref<200x128xi32, #tpu.memory_space<vmem>> -> memref<1x128xi32, #tpu.memory_space<vmem>>
    %dma_start3A_22 = tpu.memref_squeeze %dma_start3A_21 : memref<1x128xi32, #tpu.memory_space<vmem>> -> memref<128xi32, #tpu.memory_space<vmem>>
    %dma_start3A_23 = arith.constant 0 : i32
    %dma_start3A_24 = arith.constant 0 : i32
    %dma_start3A_25 = tpu.memref_slice %arg8[%dma_start3A_23, %dma_start3A_24] : memref<8192x64xf32, #tpu.memory_space<vmem_shared>> -> memref<8192x64xf32, #tpu.memory_space<vmem_shared>>
    tpu.enqueue_indirect_dma source(%dma_start3A_25 : memref<8192x64xf32, #tpu.memory_space<vmem_shared>>) target(%dma_start3A_19 : memref<128x64xf32, #tpu.memory_space<vmem>>) offsets(%dma_start3A_22 : memref<128xi32, #tpu.memory_space<vmem>>) semaphore(%arg9 : memref<!tpu.dma_semaphore, #tpu.memory_space<semaphore_mem>>)
    %dma_start3A_26 = arith.constant 2 : i32
    %dma_start3A_27 = arith.constant 256 : i32
    %dma_start3A_28 = arith.constant 0 : i32
    %dma_start3A_29 = tpu.memref_slice %arg6[%dma_start3A_27, %dma_start3A_28] : memref<512x64xf32, #tpu.memory_space<vmem>> -> memref<128x64xf32, #tpu.memory_space<vmem>>
    %dma_start3A_30 = arith.constant 0 : i32
    %dma_start3A_31 = tpu.memref_slice %arg5[%dma_start3A_26, %dma_start3A_30] : memref<200x128xi32, #tpu.memory_space<vmem>> -> memref<1x128xi32, #tpu.memory_space<vmem>>
    %dma_start3A_32 = tpu.memref_squeeze %dma_start3A_31 : memref<1x128xi32, #tpu.memory_space<vmem>> -> memref<128xi32, #tpu.memory_space<vmem>>
    %dma_start3A_33 = arith.constant 0 : i32
    %dma_start3A_34 = arith.constant 0 : i32
    %dma_start3A_35 = tpu.memref_slice %arg8[%dma_start3A_33, %dma_start3A_34] : memref<8192x64xf32, #tpu.memory_space<vmem_shared>> -> memref<8192x64xf32, #tpu.memory_space<vmem_shared>>
    tpu.enqueue_indirect_dma source(%dma_start3A_35 : memref<8192x64xf32, #tpu.memory_space<vmem_shared>>) target(%dma_start3A_29 : memref<128x64xf32, #tpu.memory_space<vmem>>) offsets(%dma_start3A_32 : memref<128xi32, #tpu.memory_space<vmem>>) semaphore(%arg9 : memref<!tpu.dma_semaphore, #tpu.memory_space<semaphore_mem>>)
    %dma_start3A_36 = arith.constant 3 : i32
    %dma_start3A_37 = arith.constant 384 : i32
    %dma_start3A_38 = arith.constant 0 : i32
    %dma_start3A_39 = tpu.memref_slice %arg6[%dma_start3A_37, %dma_start3A_38] : memref<512x64xf32, #tpu.memory_space<vmem>> -> memref<128x64xf32, #tpu.memory_space<vmem>>
    %dma_start3A_40 = arith.constant 0 : i32
    %dma_start3A_41 = tpu.memref_slice %arg5[%dma_start3A_36, %dma_start3A_40] : memref<200x128xi32, #tpu.memory_space<vmem>> -> memref<1x128xi32, #tpu.memory_space<vmem>>
    %dma_start3A_42 = tpu.memref_squeeze %dma_start3A_41 : memref<1x128xi32, #tpu.memory_space<vmem>> -> memref<128xi32, #tpu.memory_space<vmem>>
    %dma_start3A_43 = arith.constant 0 : i32
    %dma_start3A_44 = arith.constant 0 : i32
    %dma_start3A_45 = tpu.memref_slice %arg8[%dma_start3A_43, %dma_start3A_44] : memref<8192x64xf32, #tpu.memory_space<vmem_shared>> -> memref<8192x64xf32, #tpu.memory_space<vmem_shared>>
    tpu.enqueue_indirect_dma source(%dma_start3A_45 : memref<8192x64xf32, #tpu.memory_space<vmem_shared>>) target(%dma_start3A_39 : memref<128x64xf32, #tpu.memory_space<vmem>>) offsets(%dma_start3A_42 : memref<128xi32, #tpu.memory_space<vmem>>) semaphore(%arg9 : memref<!tpu.dma_semaphore, #tpu.memory_space<semaphore_mem>>)
    %dma_wait3A = arith.constant 0 : i32
    %dma_wait3A_46 = arith.constant 0 : i32
    %dma_wait3A_47 = arith.constant 0 : i32
    %dma_wait3A_48 = tpu.memref_slice %arg6[%dma_wait3A_46, %dma_wait3A_47] : memref<512x64xf32, #tpu.memory_space<vmem>> -> memref<128x64xf32, #tpu.memory_space<vmem>>
    %dma_wait3A_49 = arith.constant 0 : i32
    %dma_wait3A_50 = tpu.memref_slice %arg5[%dma_wait3A, %dma_wait3A_49] : memref<200x128xi32, #tpu.memory_space<vmem>> -> memref<1x128xi32, #tpu.memory_space<vmem>>
    %dma_wait3A_51 = tpu.memref_squeeze %dma_wait3A_50 : memref<1x128xi32, #tpu.memory_space<vmem>> -> memref<128xi32, #tpu.memory_space<vmem>>
    %dma_wait3A_52 = arith.constant 0 : i32
    %dma_wait3A_53 = arith.constant 0 : i32
    %dma_wait3A_54 = tpu.memref_slice %arg8[%dma_wait3A_52, %dma_wait3A_53] : memref<8192x64xf32, #tpu.memory_space<vmem_shared>> -> memref<8192x64xf32, #tpu.memory_space<vmem_shared>>
    tpu.wait_indirect_dma semaphore(%arg9 : memref<!tpu.dma_semaphore, #tpu.memory_space<semaphore_mem>>) src(%dma_wait3A_54 : memref<8192x64xf32, #tpu.memory_space<vmem_shared>>) dst(%dma_wait3A_48 : memref<128x64xf32, #tpu.memory_space<vmem>>)
    %dma_wait3A_55 = arith.constant 1 : i32
    %dma_wait3A_56 = arith.constant 128 : i32
    %dma_wait3A_57 = arith.constant 0 : i32
    %dma_wait3A_58 = tpu.memref_slice %arg6[%dma_wait3A_56, %dma_wait3A_57] : memref<512x64xf32, #tpu.memory_space<vmem>> -> memref<128x64xf32, #tpu.memory_space<vmem>>
    %dma_wait3A_59 = arith.constant 0 : i32
    %dma_wait3A_60 = tpu.memref_slice %arg5[%dma_wait3A_55, %dma_wait3A_59] : memref<200x128xi32, #tpu.memory_space<vmem>> -> memref<1x128xi32, #tpu.memory_space<vmem>>
    %dma_wait3A_61 = tpu.memref_squeeze %dma_wait3A_60 : memref<1x128xi32, #tpu.memory_space<vmem>> -> memref<128xi32, #tpu.memory_space<vmem>>
    %dma_wait3A_62 = arith.constant 0 : i32
    %dma_wait3A_63 = arith.constant 0 : i32
    %dma_wait3A_64 = tpu.memref_slice %arg8[%dma_wait3A_62, %dma_wait3A_63] : memref<8192x64xf32, #tpu.memory_space<vmem_shared>> -> memref<8192x64xf32, #tpu.memory_space<vmem_shared>>
    tpu.wait_indirect_dma semaphore(%arg9 : memref<!tpu.dma_semaphore, #tpu.memory_space<semaphore_mem>>) src(%dma_wait3A_64 : memref<8192x64xf32, #tpu.memory_space<vmem_shared>>) dst(%dma_wait3A_58 : memref<128x64xf32, #tpu.memory_space<vmem>>)
    %dma_wait3A_65 = arith.constant 2 : i32
    %dma_wait3A_66 = arith.constant 256 : i32
    %dma_wait3A_67 = arith.constant 0 : i32
    %dma_wait3A_68 = tpu.memref_slice %arg6[%dma_wait3A_66, %dma_wait3A_67] : memref<512x64xf32, #tpu.memory_space<vmem>> -> memref<128x64xf32, #tpu.memory_space<vmem>>
    %dma_wait3A_69 = arith.constant 0 : i32
    %dma_wait3A_70 = tpu.memref_slice %arg5[%dma_wait3A_65, %dma_wait3A_69] : memref<200x128xi32, #tpu.memory_space<vmem>> -> memref<1x128xi32, #tpu.memory_space<vmem>>
    %dma_wait3A_71 = tpu.memref_squeeze %dma_wait3A_70 : memref<1x128xi32, #tpu.memory_space<vmem>> -> memref<128xi32, #tpu.memory_space<vmem>>
    %dma_wait3A_72 = arith.constant 0 : i32
    %dma_wait3A_73 = arith.constant 0 : i32
    %dma_wait3A_74 = tpu.memref_slice %arg8[%dma_wait3A_72, %dma_wait3A_73] : memref<8192x64xf32, #tpu.memory_space<vmem_shared>> -> memref<8192x64xf32, #tpu.memory_space<vmem_shared>>
    tpu.wait_indirect_dma semaphore(%arg9 : memref<!tpu.dma_semaphore, #tpu.memory_space<semaphore_mem>>) src(%dma_wait3A_74 : memref<8192x64xf32, #tpu.memory_space<vmem_shared>>) dst(%dma_wait3A_68 : memref<128x64xf32, #tpu.memory_space<vmem>>)
    %dma_wait3A_75 = arith.constant 3 : i32
    %dma_wait3A_76 = arith.constant 384 : i32
    %dma_wait3A_77 = arith.constant 0 : i32
    %dma_wait3A_78 = tpu.memref_slice %arg6[%dma_wait3A_76, %dma_wait3A_77] : memref<512x64xf32, #tpu.memory_space<vmem>> -> memref<128x64xf32, #tpu.memory_space<vmem>>
    %dma_wait3A_79 = arith.constant 0 : i32
    %dma_wait3A_80 = tpu.memref_slice %arg5[%dma_wait3A_75, %dma_wait3A_79] : memref<200x128xi32, #tpu.memory_space<vmem>> -> memref<1x128xi32, #tpu.memory_space<vmem>>
    %dma_wait3A_81 = tpu.memref_squeeze %dma_wait3A_80 : memref<1x128xi32, #tpu.memory_space<vmem>> -> memref<128xi32, #tpu.memory_space<vmem>>
    %dma_wait3A_82 = arith.constant 0 : i32
    %dma_wait3A_83 = arith.constant 0 : i32
    %dma_wait3A_84 = tpu.memref_slice %arg8[%dma_wait3A_82, %dma_wait3A_83] : memref<8192x64xf32, #tpu.memory_space<vmem_shared>> -> memref<8192x64xf32, #tpu.memory_space<vmem_shared>>
    tpu.wait_indirect_dma semaphore(%arg9 : memref<!tpu.dma_semaphore, #tpu.memory_space<semaphore_mem>>) src(%dma_wait3A_84 : memref<8192x64xf32, #tpu.memory_space<vmem_shared>>) dst(%dma_wait3A_78 : memref<128x64xf32, #tpu.memory_space<vmem>>)
    %dma_start3A_85 = arith.constant 4 : i32
    %dma_start3A_86 = arith.constant 0 : i32
    %dma_start3A_87 = arith.constant 0 : i32
    %dma_start3A_88 = tpu.memref_slice %arg7[%dma_start3A_86, %dma_start3A_87] : memref<512x64xf32, #tpu.memory_space<vmem>> -> memref<128x64xf32, #tpu.memory_space<vmem>>
    %dma_start3A_89 = arith.constant 0 : i32
    %dma_start3A_90 = tpu.memref_slice %arg5[%dma_start3A_85, %dma_start3A_89] : memref<200x128xi32, #tpu.memory_space<vmem>> -> memref<1x128xi32, #tpu.memory_space<vmem>>
    %dma_start3A_91 = tpu.memref_squeeze %dma_start3A_90 : memref<1x128xi32, #tpu.memory_space<vmem>> -> memref<128xi32, #tpu.memory_space<vmem>>
    %dma_start3A_92 = arith.constant 0 : i32
    %dma_start3A_93 = arith.constant 0 : i32
    %dma_start3A_94 = tpu.memref_slice %arg8[%dma_start3A_92, %dma_start3A_93] : memref<8192x64xf32, #tpu.memory_space<vmem_shared>> -> memref<8192x64xf32, #tpu.memory_space<vmem_shared>>
    tpu.enqueue_indirect_dma source(%dma_start3A_94 : memref<8192x64xf32, #tpu.memory_space<vmem_shared>>) target(%dma_start3A_88 : memref<128x64xf32, #tpu.memory_space<vmem>>) offsets(%dma_start3A_91 : memref<128xi32, #tpu.memory_space<vmem>>) semaphore(%arg9 : memref<!tpu.dma_semaphore, #tpu.memory_space<semaphore_mem>>)
    %dma_start3A_95 = arith.constant 5 : i32
    %dma_start3A_96 = arith.constant 128 : i32
    %dma_start3A_97 = arith.constant 0 : i32
    %dma_start3A_98 = tpu.memref_slice %arg7[%dma_start3A_96, %dma_start3A_97] : memref<512x64xf32, #tpu.memory_space<vmem>> -> memref<128x64xf32, #tpu.memory_space<vmem>>
    %dma_start3A_99 = arith.constant 0 : i32
    %dma_start3A_100 = tpu.memref_slice %arg5[%dma_start3A_95, %dma_start3A_99] : memref<200x128xi32, #tpu.memory_space<vmem>> -> memref<1x128xi32, #tpu.memory_space<vmem>>
    %dma_start3A_101 = tpu.memref_squeeze %dma_start3A_100 : memref<1x128xi32, #tpu.memory_space<vmem>> -> memref<128xi32, #tpu.memory_space<vmem>>
    %dma_start3A_102 = arith.constant 0 : i32
    %dma_start3A_103 = arith.constant 0 : i32
    %dma_start3A_104 = tpu.memref_slice %arg8[%dma_start3A_102, %dma_start3A_103] : memref<8192x64xf32, #tpu.memory_space<vmem_shared>> -> memref<8192x64xf32, #tpu.memory_space<vmem_shared>>
    tpu.enqueue_indirect_dma source(%dma_start3A_104 : memref<8192x64xf32, #tpu.memory_space<vmem_shared>>) target(%dma_start3A_98 : memref<128x64xf32, #tpu.memory_space<vmem>>) offsets(%dma_start3A_101 : memref<128xi32, #tpu.memory_space<vmem>>) semaphore(%arg9 : memref<!tpu.dma_semaphore, #tpu.memory_space<semaphore_mem>>)
    %dma_start3A_105 = arith.constant 6 : i32
    %dma_start3A_106 = arith.constant 256 : i32
    %dma_start3A_107 = arith.constant 0 : i32
    %dma_start3A_108 = tpu.memref_slice %arg7[%dma_start3A_106, %dma_start3A_107] : memref<512x64xf32, #tpu.memory_space<vmem>> -> memref<128x64xf32, #tpu.memory_space<vmem>>
    %dma_start3A_109 = arith.constant 0 : i32
    %dma_start3A_110 = tpu.memref_slice %arg5[%dma_start3A_105, %dma_start3A_109] : memref<200x128xi32, #tpu.memory_space<vmem>> -> memref<1x128xi32, #tpu.memory_space<vmem>>
    %dma_start3A_111 = tpu.memref_squeeze %dma_start3A_110 : memref<1x128xi32, #tpu.memory_space<vmem>> -> memref<128xi32, #tpu.memory_space<vmem>>
    %dma_start3A_112 = arith.constant 0 : i32
    %dma_start3A_113 = arith.constant 0 : i32
    %dma_start3A_114 = tpu.memref_slice %arg8[%dma_start3A_112, %dma_start3A_113] : memref<8192x64xf32, #tpu.memory_space<vmem_shared>> -> memref<8192x64xf32, #tpu.memory_space<vmem_shared>>
    tpu.enqueue_indirect_dma source(%dma_start3A_114 : memref<8192x64xf32, #tpu.memory_space<vmem_shared>>) target(%dma_start3A_108 : memref<128x64xf32, #tpu.memory_space<vmem>>) offsets(%dma_start3A_111 : memref<128xi32, #tpu.memory_space<vmem>>) semaphore(%arg9 : memref<!tpu.dma_semaphore, #tpu.memory_space<semaphore_mem>>)
    %dma_start3A_115 = arith.constant 7 : i32
    %dma_start3A_116 = arith.constant 384 : i32
    %dma_start3A_117 = arith.constant 0 : i32
    %dma_start3A_118 = tpu.memref_slice %arg7[%dma_start3A_116, %dma_start3A_117] : memref<512x64xf32, #tpu.memory_space<vmem>> -> memref<128x64xf32, #tpu.memory_space<vmem>>
    %dma_start3A_119 = arith.constant 0 : i32
    %dma_start3A_120 = tpu.memref_slice %arg5[%dma_start3A_115, %dma_start3A_119] : memref<200x128xi32, #tpu.memory_space<vmem>> -> memref<1x128xi32, #tpu.memory_space<vmem>>
    %dma_start3A_121 = tpu.memref_squeeze %dma_start3A_120 : memref<1x128xi32, #tpu.memory_space<vmem>> -> memref<128xi32, #tpu.memory_space<vmem>>
    %dma_start3A_122 = arith.constant 0 : i32
    %dma_start3A_123 = arith.constant 0 : i32
    %dma_start3A_124 = tpu.memref_slice %arg8[%dma_start3A_122, %dma_start3A_123] : memref<8192x64xf32, #tpu.memory_space<vmem_shared>> -> memref<8192x64xf32, #tpu.memory_space<vmem_shared>>
    tpu.enqueue_indirect_dma source(%dma_start3A_124 : memref<8192x64xf32, #tpu.memory_space<vmem_shared>>) target(%dma_start3A_118 : memref<128x64xf32, #tpu.memory_space<vmem>>) offsets(%dma_start3A_121 : memref<128xi32, #tpu.memory_space<vmem>>) semaphore(%arg9 : memref<!tpu.dma_semaphore, #tpu.memory_space<semaphore_mem>>)
    %add3A_125 = arith.constant 0 : i32
    %add3A_126 = arith.addi %mul3A_2, %add3A_125 : i32
    %dma_start3A_127 = arith.constant 0 : i32
    %dma_start3A_128 = tpu.memref_slice %arg4[%add3A_126, %dma_start3A_127] : memref<819200x64xf32, #tpu.memory_space<hbm>> -> memref<512x64xf32, #tpu.memory_space<hbm>>
    %dma_start3A_129 = arith.constant 0 : i32
    %dma_start3A_130 = tpu.memref_slice %arg4[%add3A_126, %dma_start3A_129] : memref<819200x64xf32, #tpu.memory_space<hbm>> -> memref<512x64xf32, #tpu.memory_space<hbm>>
    tpu.enqueue_dma source(%arg6 : memref<512x64xf32, #tpu.memory_space<vmem>>) target(%dma_start3A_130 : memref<512x64xf32, #tpu.memory_space<hbm>>) target_semaphore(%arg10 : memref<!tpu.dma_semaphore, #tpu.memory_space<semaphore_mem>>)
    %scan3A = arith.constant 0 : i32
    %scan3A_131 = arith.constant 0 : i32
    %scan3A_132 = arith.constant 24 : i32
    %scan3A_133 = arith.addi %scan3A_131, %scan3A_132 : i32
    %scan3A_134 = arith.constant 1 : i32
    scf.for %scan3A_194 = %scan3A_131 to %scan3A_133 step %scan3A_134  : i32 {
      %mul3A_195 = arith.constant 2 : i32
      %mul3A_196 = arith.muli %mul3A_195, %scan3A_194 : i32
      %add3A_197 = arith.constant 1 : i32
      %add3A_198 = arith.addi %mul3A_196, %add3A_197 : i32
      %mul3A_199 = arith.constant 4 : i32
      %mul3A_200 = arith.muli %add3A_198, %mul3A_199 : i32
      %add3A_201 = arith.constant 0 : i32
      %add3A_202 = arith.addi %mul3A_200, %add3A_201 : i32
      %dma_wait3A_203 = arith.constant 0 : i32
      %dma_wait3A_204 = arith.constant 0 : i32
      %dma_wait3A_205 = tpu.memref_slice %arg7[%dma_wait3A_203, %dma_wait3A_204] : memref<512x64xf32, #tpu.memory_space<vmem>> -> memref<128x64xf32, #tpu.memory_space<vmem>>
      %dma_wait3A_206 = arith.constant 0 : i32
      %dma_wait3A_207 = tpu.memref_slice %arg5[%add3A_202, %dma_wait3A_206] : memref<200x128xi32, #tpu.memory_space<vmem>> -> memref<1x128xi32, #tpu.memory_space<vmem>>
      %dma_wait3A_208 = tpu.memref_squeeze %dma_wait3A_207 : memref<1x128xi32, #tpu.memory_space<vmem>> -> memref<128xi32, #tpu.memory_space<vmem>>
      %dma_wait3A_209 = arith.constant 0 : i32
      %dma_wait3A_210 = arith.constant 0 : i32
      %dma_wait3A_211 = tpu.memref_slice %arg8[%dma_wait3A_209, %dma_wait3A_210] : memref<8192x64xf32, #tpu.memory_space<vmem_shared>> -> memref<8192x64xf32, #tpu.memory_space<vmem_shared>>
      tpu.wait_indirect_dma semaphore(%arg9 : memref<!tpu.dma_semaphore, #tpu.memory_space<semaphore_mem>>) src(%dma_wait3A_211 : memref<8192x64xf32, #tpu.memory_space<vmem_shared>>) dst(%dma_wait3A_205 : memref<128x64xf32, #tpu.memory_space<vmem>>)
      %mul3A_212 = arith.constant 4 : i32
      %mul3A_213 = arith.muli %add3A_198, %mul3A_212 : i32
      %add3A_214 = arith.constant 1 : i32
      %add3A_215 = arith.addi %mul3A_213, %add3A_214 : i32
      %dma_wait3A_216 = arith.constant 128 : i32
      %dma_wait3A_217 = arith.constant 0 : i32
      %dma_wait3A_218 = tpu.memref_slice %arg7[%dma_wait3A_216, %dma_wait3A_217] : memref<512x64xf32, #tpu.memory_space<vmem>> -> memref<128x64xf32, #tpu.memory_space<vmem>>
      %dma_wait3A_219 = arith.constant 0 : i32
      %dma_wait3A_220 = tpu.memref_slice %arg5[%add3A_215, %dma_wait3A_219] : memref<200x128xi32, #tpu.memory_space<vmem>> -> memref<1x128xi32, #tpu.memory_space<vmem>>
      %dma_wait3A_221 = tpu.memref_squeeze %dma_wait3A_220 : memref<1x128xi32, #tpu.memory_space<vmem>> -> memref<128xi32, #tpu.memory_space<vmem>>
      %dma_wait3A_222 = arith.constant 0 : i32
      %dma_wait3A_223 = arith.constant 0 : i32
      %dma_wait3A_224 = tpu.memref_slice %arg8[%dma_wait3A_222, %dma_wait3A_223] : memref<8192x64xf32, #tpu.memory_space<vmem_shared>> -> memref<8192x64xf32, #tpu.memory_space<vmem_shared>>
      tpu.wait_indirect_dma semaphore(%arg9 : memref<!tpu.dma_semaphore, #tpu.memory_space<semaphore_mem>>) src(%dma_wait3A_224 : memref<8192x64xf32, #tpu.memory_space<vmem_shared>>) dst(%dma_wait3A_218 : memref<128x64xf32, #tpu.memory_space<vmem>>)
      %mul3A_225 = arith.constant 4 : i32
      %mul3A_226 = arith.muli %add3A_198, %mul3A_225 : i32
      %add3A_227 = arith.constant 2 : i32
      %add3A_228 = arith.addi %mul3A_226, %add3A_227 : i32
      %dma_wait3A_229 = arith.constant 256 : i32
      %dma_wait3A_230 = arith.constant 0 : i32
      %dma_wait3A_231 = tpu.memref_slice %arg7[%dma_wait3A_229, %dma_wait3A_230] : memref<512x64xf32, #tpu.memory_space<vmem>> -> memref<128x64xf32, #tpu.memory_space<vmem>>
      %dma_wait3A_232 = arith.constant 0 : i32
      %dma_wait3A_233 = tpu.memref_slice %arg5[%add3A_228, %dma_wait3A_232] : memref<200x128xi32, #tpu.memory_space<vmem>> -> memref<1x128xi32, #tpu.memory_space<vmem>>
      %dma_wait3A_234 = tpu.memref_squeeze %dma_wait3A_233 : memref<1x128xi32, #tpu.memory_space<vmem>> -> memref<128xi32, #tpu.memory_space<vmem>>
      %dma_wait3A_235 = arith.constant 0 : i32
      %dma_wait3A_236 = arith.constant 0 : i32
      %dma_wait3A_237 = tpu.memref_slice %arg8[%dma_wait3A_235, %dma_wait3A_236] : memref<8192x64xf32, #tpu.memory_space<vmem_shared>> -> memref<8192x64xf32, #tpu.memory_space<vmem_shared>>
      tpu.wait_indirect_dma semaphore(%arg9 : memref<!tpu.dma_semaphore, #tpu.memory_space<semaphore_mem>>) src(%dma_wait3A_237 : memref<8192x64xf32, #tpu.memory_space<vmem_shared>>) dst(%dma_wait3A_231 : memref<128x64xf32, #tpu.memory_space<vmem>>)
      %mul3A_238 = arith.constant 4 : i32
      %mul3A_239 = arith.muli %add3A_198, %mul3A_238 : i32
      %add3A_240 = arith.constant 3 : i32
      %add3A_241 = arith.addi %mul3A_239, %add3A_240 : i32
      %dma_wait3A_242 = arith.constant 384 : i32
      %dma_wait3A_243 = arith.constant 0 : i32
      %dma_wait3A_244 = tpu.memref_slice %arg7[%dma_wait3A_242, %dma_wait3A_243] : memref<512x64xf32, #tpu.memory_space<vmem>> -> memref<128x64xf32, #tpu.memory_space<vmem>>
      %dma_wait3A_245 = arith.constant 0 : i32
      %dma_wait3A_246 = tpu.memref_slice %arg5[%add3A_241, %dma_wait3A_245] : memref<200x128xi32, #tpu.memory_space<vmem>> -> memref<1x128xi32, #tpu.memory_space<vmem>>
      %dma_wait3A_247 = tpu.memref_squeeze %dma_wait3A_246 : memref<1x128xi32, #tpu.memory_space<vmem>> -> memref<128xi32, #tpu.memory_space<vmem>>
      %dma_wait3A_248 = arith.constant 0 : i32
      %dma_wait3A_249 = arith.constant 0 : i32
      %dma_wait3A_250 = tpu.memref_slice %arg8[%dma_wait3A_248, %dma_wait3A_249] : memref<8192x64xf32, #tpu.memory_space<vmem_shared>> -> memref<8192x64xf32, #tpu.memory_space<vmem_shared>>
      tpu.wait_indirect_dma semaphore(%arg9 : memref<!tpu.dma_semaphore, #tpu.memory_space<semaphore_mem>>) src(%dma_wait3A_250 : memref<8192x64xf32, #tpu.memory_space<vmem_shared>>) dst(%dma_wait3A_244 : memref<128x64xf32, #tpu.memory_space<vmem>>)
      %sub3A = arith.constant 1 : i32
      %sub3A_251 = arith.subi %add3A_198, %sub3A : i32
      %mul3A_252 = arith.constant 512 : i32
      %mul3A_253 = arith.muli %sub3A_251, %mul3A_252 : i32
      %add3A_254 = arith.addi %mul3A_2, %mul3A_253 : i32
      %dma_wait3A_255 = arith.constant 0 : i32
      %dma_wait3A_256 = tpu.memref_slice %arg4[%add3A_254, %dma_wait3A_255] : memref<819200x64xf32, #tpu.memory_space<hbm>> -> memref<512x64xf32, #tpu.memory_space<hbm>>
      %dma_wait3A_257 = arith.constant 0 : i32
      %dma_wait3A_258 = tpu.memref_slice %arg4[%add3A_254, %dma_wait3A_257] : memref<819200x64xf32, #tpu.memory_space<hbm>> -> memref<512x64xf32, #tpu.memory_space<hbm>>
      tpu.wait_dma2 semaphore(%arg10 : memref<!tpu.dma_semaphore, #tpu.memory_space<semaphore_mem>>) src(%arg6 : memref<512x64xf32, #tpu.memory_space<vmem>>) dst(%dma_wait3A_258 : memref<512x64xf32, #tpu.memory_space<hbm>>)
      %add3A_259 = arith.constant 1 : i32
      %add3A_260 = arith.addi %add3A_198, %add3A_259 : i32
      %mul3A_261 = arith.constant 4 : i32
      %mul3A_262 = arith.muli %add3A_260, %mul3A_261 : i32
      %add3A_263 = arith.constant 0 : i32
      %add3A_264 = arith.addi %mul3A_262, %add3A_263 : i32
      %dma_start3A_265 = arith.constant 0 : i32
      %dma_start3A_266 = arith.constant 0 : i32
      %dma_start3A_267 = tpu.memref_slice %arg6[%dma_start3A_265, %dma_start3A_266] : memref<512x64xf32, #tpu.memory_space<vmem>> -> memref<128x64xf32, #tpu.memory_space<vmem>>
      %dma_start3A_268 = arith.constant 0 : i32
      %dma_start3A_269 = tpu.memref_slice %arg5[%add3A_264, %dma_start3A_268] : memref<200x128xi32, #tpu.memory_space<vmem>> -> memref<1x128xi32, #tpu.memory_space<vmem>>
      %dma_start3A_270 = tpu.memref_squeeze %dma_start3A_269 : memref<1x128xi32, #tpu.memory_space<vmem>> -> memref<128xi32, #tpu.memory_space<vmem>>
      %dma_start3A_271 = arith.constant 0 : i32
      %dma_start3A_272 = arith.constant 0 : i32
      %dma_start3A_273 = tpu.memref_slice %arg8[%dma_start3A_271, %dma_start3A_272] : memref<8192x64xf32, #tpu.memory_space<vmem_shared>> -> memref<8192x64xf32, #tpu.memory_space<vmem_shared>>
      tpu.enqueue_indirect_dma source(%dma_start3A_273 : memref<8192x64xf32, #tpu.memory_space<vmem_shared>>) target(%dma_start3A_267 : memref<128x64xf32, #tpu.memory_space<vmem>>) offsets(%dma_start3A_270 : memref<128xi32, #tpu.memory_space<vmem>>) semaphore(%arg9 : memref<!tpu.dma_semaphore, #tpu.memory_space<semaphore_mem>>)
      %mul3A_274 = arith.constant 4 : i32
      %mul3A_275 = arith.muli %add3A_260, %mul3A_274 : i32
      %add3A_276 = arith.constant 1 : i32
      %add3A_277 = arith.addi %mul3A_275, %add3A_276 : i32
      %dma_start3A_278 = arith.constant 128 : i32
      %dma_start3A_279 = arith.constant 0 : i32
      %dma_start3A_280 = tpu.memref_slice %arg6[%dma_start3A_278, %dma_start3A_279] : memref<512x64xf32, #tpu.memory_space<vmem>> -> memref<128x64xf32, #tpu.memory_space<vmem>>
      %dma_start3A_281 = arith.constant 0 : i32
      %dma_start3A_282 = tpu.memref_slice %arg5[%add3A_277, %dma_start3A_281] : memref<200x128xi32, #tpu.memory_space<vmem>> -> memref<1x128xi32, #tpu.memory_space<vmem>>
      %dma_start3A_283 = tpu.memref_squeeze %dma_start3A_282 : memref<1x128xi32, #tpu.memory_space<vmem>> -> memref<128xi32, #tpu.memory_space<vmem>>
      %dma_start3A_284 = arith.constant 0 : i32
      %dma_start3A_285 = arith.constant 0 : i32
      %dma_start3A_286 = tpu.memref_slice %arg8[%dma_start3A_284, %dma_start3A_285] : memref<8192x64xf32, #tpu.memory_space<vmem_shared>> -> memref<8192x64xf32, #tpu.memory_space<vmem_shared>>
      tpu.enqueue_indirect_dma source(%dma_start3A_286 : memref<8192x64xf32, #tpu.memory_space<vmem_shared>>) target(%dma_start3A_280 : memref<128x64xf32, #tpu.memory_space<vmem>>) offsets(%dma_start3A_283 : memref<128xi32, #tpu.memory_space<vmem>>) semaphore(%arg9 : memref<!tpu.dma_semaphore, #tpu.memory_space<semaphore_mem>>)
      %mul3A_287 = arith.constant 4 : i32
      %mul3A_288 = arith.muli %add3A_260, %mul3A_287 : i32
      %add3A_289 = arith.constant 2 : i32
      %add3A_290 = arith.addi %mul3A_288, %add3A_289 : i32
      %dma_start3A_291 = arith.constant 256 : i32
      %dma_start3A_292 = arith.constant 0 : i32
      %dma_start3A_293 = tpu.memref_slice %arg6[%dma_start3A_291, %dma_start3A_292] : memref<512x64xf32, #tpu.memory_space<vmem>> -> memref<128x64xf32, #tpu.memory_space<vmem>>
      %dma_start3A_294 = arith.constant 0 : i32
      %dma_start3A_295 = tpu.memref_slice %arg5[%add3A_290, %dma_start3A_294] : memref<200x128xi32, #tpu.memory_space<vmem>> -> memref<1x128xi32, #tpu.memory_space<vmem>>
      %dma_start3A_296 = tpu.memref_squeeze %dma_start3A_295 : memref<1x128xi32, #tpu.memory_space<vmem>> -> memref<128xi32, #tpu.memory_space<vmem>>
      %dma_start3A_297 = arith.constant 0 : i32
      %dma_start3A_298 = arith.constant 0 : i32
      %dma_start3A_299 = tpu.memref_slice %arg8[%dma_start3A_297, %dma_start3A_298] : memref<8192x64xf32, #tpu.memory_space<vmem_shared>> -> memref<8192x64xf32, #tpu.memory_space<vmem_shared>>
      tpu.enqueue_indirect_dma source(%dma_start3A_299 : memref<8192x64xf32, #tpu.memory_space<vmem_shared>>) target(%dma_start3A_293 : memref<128x64xf32, #tpu.memory_space<vmem>>) offsets(%dma_start3A_296 : memref<128xi32, #tpu.memory_space<vmem>>) semaphore(%arg9 : memref<!tpu.dma_semaphore, #tpu.memory_space<semaphore_mem>>)
      %mul3A_300 = arith.constant 4 : i32
      %mul3A_301 = arith.muli %add3A_260, %mul3A_300 : i32
      %add3A_302 = arith.constant 3 : i32
      %add3A_303 = arith.addi %mul3A_301, %add3A_302 : i32
      %dma_start3A_304 = arith.constant 384 : i32
      %dma_start3A_305 = arith.constant 0 : i32
      %dma_start3A_306 = tpu.memref_slice %arg6[%dma_start3A_304, %dma_start3A_305] : memref<512x64xf32, #tpu.memory_space<vmem>> -> memref<128x64xf32, #tpu.memory_space<vmem>>
      %dma_start3A_307 = arith.constant 0 : i32
      %dma_start3A_308 = tpu.memref_slice %arg5[%add3A_303, %dma_start3A_307] : memref<200x128xi32, #tpu.memory_space<vmem>> -> memref<1x128xi32, #tpu.memory_space<vmem>>
      %dma_start3A_309 = tpu.memref_squeeze %dma_start3A_308 : memref<1x128xi32, #tpu.memory_space<vmem>> -> memref<128xi32, #tpu.memory_space<vmem>>
      %dma_start3A_310 = arith.constant 0 : i32
      %dma_start3A_311 = arith.constant 0 : i32
      %dma_start3A_312 = tpu.memref_slice %arg8[%dma_start3A_310, %dma_start3A_311] : memref<8192x64xf32, #tpu.memory_space<vmem_shared>> -> memref<8192x64xf32, #tpu.memory_space<vmem_shared>>
      tpu.enqueue_indirect_dma source(%dma_start3A_312 : memref<8192x64xf32, #tpu.memory_space<vmem_shared>>) target(%dma_start3A_306 : memref<128x64xf32, #tpu.memory_space<vmem>>) offsets(%dma_start3A_309 : memref<128xi32, #tpu.memory_space<vmem>>) semaphore(%arg9 : memref<!tpu.dma_semaphore, #tpu.memory_space<semaphore_mem>>)
      %mul3A_313 = arith.constant 512 : i32
      %mul3A_314 = arith.muli %add3A_198, %mul3A_313 : i32
      %add3A_315 = arith.addi %mul3A_2, %mul3A_314 : i32
      %dma_start3A_316 = arith.constant 0 : i32
      %dma_start3A_317 = tpu.memref_slice %arg4[%add3A_315, %dma_start3A_316] : memref<819200x64xf32, #tpu.memory_space<hbm>> -> memref<512x64xf32, #tpu.memory_space<hbm>>
      %dma_start3A_318 = arith.constant 0 : i32
      %dma_start3A_319 = tpu.memref_slice %arg4[%add3A_315, %dma_start3A_318] : memref<819200x64xf32, #tpu.memory_space<hbm>> -> memref<512x64xf32, #tpu.memory_space<hbm>>
      tpu.enqueue_dma source(%arg7 : memref<512x64xf32, #tpu.memory_space<vmem>>) target(%dma_start3A_319 : memref<512x64xf32, #tpu.memory_space<hbm>>) target_semaphore(%arg10 : memref<!tpu.dma_semaphore, #tpu.memory_space<semaphore_mem>>)
      %add3A_320 = arith.constant 1 : i32
      %add3A_321 = arith.addi %add3A_198, %add3A_320 : i32
      %mul3A_322 = arith.constant 4 : i32
      %mul3A_323 = arith.muli %add3A_321, %mul3A_322 : i32
      %add3A_324 = arith.constant 0 : i32
      %add3A_325 = arith.addi %mul3A_323, %add3A_324 : i32
      %dma_wait3A_326 = arith.constant 0 : i32
      %dma_wait3A_327 = arith.constant 0 : i32
      %dma_wait3A_328 = tpu.memref_slice %arg6[%dma_wait3A_326, %dma_wait3A_327] : memref<512x64xf32, #tpu.memory_space<vmem>> -> memref<128x64xf32, #tpu.memory_space<vmem>>
      %dma_wait3A_329 = arith.constant 0 : i32
      %dma_wait3A_330 = tpu.memref_slice %arg5[%add3A_325, %dma_wait3A_329] : memref<200x128xi32, #tpu.memory_space<vmem>> -> memref<1x128xi32, #tpu.memory_space<vmem>>
      %dma_wait3A_331 = tpu.memref_squeeze %dma_wait3A_330 : memref<1x128xi32, #tpu.memory_space<vmem>> -> memref<128xi32, #tpu.memory_space<vmem>>
      %dma_wait3A_332 = arith.constant 0 : i32
      %dma_wait3A_333 = arith.constant 0 : i32
      %dma_wait3A_334 = tpu.memref_slice %arg8[%dma_wait3A_332, %dma_wait3A_333] : memref<8192x64xf32, #tpu.memory_space<vmem_shared>> -> memref<8192x64xf32, #tpu.memory_space<vmem_shared>>
      tpu.wait_indirect_dma semaphore(%arg9 : memref<!tpu.dma_semaphore, #tpu.memory_space<semaphore_mem>>) src(%dma_wait3A_334 : memref<8192x64xf32, #tpu.memory_space<vmem_shared>>) dst(%dma_wait3A_328 : memref<128x64xf32, #tpu.memory_space<vmem>>)
      %mul3A_335 = arith.constant 4 : i32
      %mul3A_336 = arith.muli %add3A_321, %mul3A_335 : i32
      %add3A_337 = arith.constant 1 : i32
      %add3A_338 = arith.addi %mul3A_336, %add3A_337 : i32
      %dma_wait3A_339 = arith.constant 128 : i32
      %dma_wait3A_340 = arith.constant 0 : i32
      %dma_wait3A_341 = tpu.memref_slice %arg6[%dma_wait3A_339, %dma_wait3A_340] : memref<512x64xf32, #tpu.memory_space<vmem>> -> memref<128x64xf32, #tpu.memory_space<vmem>>
      %dma_wait3A_342 = arith.constant 0 : i32
      %dma_wait3A_343 = tpu.memref_slice %arg5[%add3A_338, %dma_wait3A_342] : memref<200x128xi32, #tpu.memory_space<vmem>> -> memref<1x128xi32, #tpu.memory_space<vmem>>
      %dma_wait3A_344 = tpu.memref_squeeze %dma_wait3A_343 : memref<1x128xi32, #tpu.memory_space<vmem>> -> memref<128xi32, #tpu.memory_space<vmem>>
      %dma_wait3A_345 = arith.constant 0 : i32
      %dma_wait3A_346 = arith.constant 0 : i32
      %dma_wait3A_347 = tpu.memref_slice %arg8[%dma_wait3A_345, %dma_wait3A_346] : memref<8192x64xf32, #tpu.memory_space<vmem_shared>> -> memref<8192x64xf32, #tpu.memory_space<vmem_shared>>
      tpu.wait_indirect_dma semaphore(%arg9 : memref<!tpu.dma_semaphore, #tpu.memory_space<semaphore_mem>>) src(%dma_wait3A_347 : memref<8192x64xf32, #tpu.memory_space<vmem_shared>>) dst(%dma_wait3A_341 : memref<128x64xf32, #tpu.memory_space<vmem>>)
      %mul3A_348 = arith.constant 4 : i32
      %mul3A_349 = arith.muli %add3A_321, %mul3A_348 : i32
      %add3A_350 = arith.constant 2 : i32
      %add3A_351 = arith.addi %mul3A_349, %add3A_350 : i32
      %dma_wait3A_352 = arith.constant 256 : i32
      %dma_wait3A_353 = arith.constant 0 : i32
      %dma_wait3A_354 = tpu.memref_slice %arg6[%dma_wait3A_352, %dma_wait3A_353] : memref<512x64xf32, #tpu.memory_space<vmem>> -> memref<128x64xf32, #tpu.memory_space<vmem>>
      %dma_wait3A_355 = arith.constant 0 : i32
      %dma_wait3A_356 = tpu.memref_slice %arg5[%add3A_351, %dma_wait3A_355] : memref<200x128xi32, #tpu.memory_space<vmem>> -> memref<1x128xi32, #tpu.memory_space<vmem>>
      %dma_wait3A_357 = tpu.memref_squeeze %dma_wait3A_356 : memref<1x128xi32, #tpu.memory_space<vmem>> -> memref<128xi32, #tpu.memory_space<vmem>>
      %dma_wait3A_358 = arith.constant 0 : i32
      %dma_wait3A_359 = arith.constant 0 : i32
      %dma_wait3A_360 = tpu.memref_slice %arg8[%dma_wait3A_358, %dma_wait3A_359] : memref<8192x64xf32, #tpu.memory_space<vmem_shared>> -> memref<8192x64xf32, #tpu.memory_space<vmem_shared>>
      tpu.wait_indirect_dma semaphore(%arg9 : memref<!tpu.dma_semaphore, #tpu.memory_space<semaphore_mem>>) src(%dma_wait3A_360 : memref<8192x64xf32, #tpu.memory_space<vmem_shared>>) dst(%dma_wait3A_354 : memref<128x64xf32, #tpu.memory_space<vmem>>)
      %mul3A_361 = arith.constant 4 : i32
      %mul3A_362 = arith.muli %add3A_321, %mul3A_361 : i32
      %add3A_363 = arith.constant 3 : i32
      %add3A_364 = arith.addi %mul3A_362, %add3A_363 : i32
      %dma_wait3A_365 = arith.constant 384 : i32
      %dma_wait3A_366 = arith.constant 0 : i32
      %dma_wait3A_367 = tpu.memref_slice %arg6[%dma_wait3A_365, %dma_wait3A_366] : memref<512x64xf32, #tpu.memory_space<vmem>> -> memref<128x64xf32, #tpu.memory_space<vmem>>
      %dma_wait3A_368 = arith.constant 0 : i32
      %dma_wait3A_369 = tpu.memref_slice %arg5[%add3A_364, %dma_wait3A_368] : memref<200x128xi32, #tpu.memory_space<vmem>> -> memref<1x128xi32, #tpu.memory_space<vmem>>
      %dma_wait3A_370 = tpu.memref_squeeze %dma_wait3A_369 : memref<1x128xi32, #tpu.memory_space<vmem>> -> memref<128xi32, #tpu.memory_space<vmem>>
      %dma_wait3A_371 = arith.constant 0 : i32
      %dma_wait3A_372 = arith.constant 0 : i32
      %dma_wait3A_373 = tpu.memref_slice %arg8[%dma_wait3A_371, %dma_wait3A_372] : memref<8192x64xf32, #tpu.memory_space<vmem_shared>> -> memref<8192x64xf32, #tpu.memory_space<vmem_shared>>
      tpu.wait_indirect_dma semaphore(%arg9 : memref<!tpu.dma_semaphore, #tpu.memory_space<semaphore_mem>>) src(%dma_wait3A_373 : memref<8192x64xf32, #tpu.memory_space<vmem_shared>>) dst(%dma_wait3A_367 : memref<128x64xf32, #tpu.memory_space<vmem>>)
      %sub3A_374 = arith.constant 1 : i32
      %sub3A_375 = arith.subi %add3A_321, %sub3A_374 : i32
      %mul3A_376 = arith.constant 512 : i32
      %mul3A_377 = arith.muli %sub3A_375, %mul3A_376 : i32
      %add3A_378 = arith.addi %mul3A_2, %mul3A_377 : i32
      %dma_wait3A_379 = arith.constant 0 : i32
      %dma_wait3A_380 = tpu.memref_slice %arg4[%add3A_378, %dma_wait3A_379] : memref<819200x64xf32, #tpu.memory_space<hbm>> -> memref<512x64xf32, #tpu.memory_space<hbm>>
      %dma_wait3A_381 = arith.constant 0 : i32
      %dma_wait3A_382 = tpu.memref_slice %arg4[%add3A_378, %dma_wait3A_381] : memref<819200x64xf32, #tpu.memory_space<hbm>> -> memref<512x64xf32, #tpu.memory_space<hbm>>
      tpu.wait_dma2 semaphore(%arg10 : memref<!tpu.dma_semaphore, #tpu.memory_space<semaphore_mem>>) src(%arg7 : memref<512x64xf32, #tpu.memory_space<vmem>>) dst(%dma_wait3A_382 : memref<512x64xf32, #tpu.memory_space<hbm>>)
      %add3A_383 = arith.constant 1 : i32
      %add3A_384 = arith.addi %add3A_321, %add3A_383 : i32
      %mul3A_385 = arith.constant 4 : i32
      %mul3A_386 = arith.muli %add3A_384, %mul3A_385 : i32
      %add3A_387 = arith.constant 0 : i32
      %add3A_388 = arith.addi %mul3A_386, %add3A_387 : i32
      %dma_start3A_389 = arith.constant 0 : i32
      %dma_start3A_390 = arith.constant 0 : i32
      %dma_start3A_391 = tpu.memref_slice %arg7[%dma_start3A_389, %dma_start3A_390] : memref<512x64xf32, #tpu.memory_space<vmem>> -> memref<128x64xf32, #tpu.memory_space<vmem>>
      %dma_start3A_392 = arith.constant 0 : i32
      %dma_start3A_393 = tpu.memref_slice %arg5[%add3A_388, %dma_start3A_392] : memref<200x128xi32, #tpu.memory_space<vmem>> -> memref<1x128xi32, #tpu.memory_space<vmem>>
      %dma_start3A_394 = tpu.memref_squeeze %dma_start3A_393 : memref<1x128xi32, #tpu.memory_space<vmem>> -> memref<128xi32, #tpu.memory_space<vmem>>
      %dma_start3A_395 = arith.constant 0 : i32
      %dma_start3A_396 = arith.constant 0 : i32
      %dma_start3A_397 = tpu.memref_slice %arg8[%dma_start3A_395, %dma_start3A_396] : memref<8192x64xf32, #tpu.memory_space<vmem_shared>> -> memref<8192x64xf32, #tpu.memory_space<vmem_shared>>
      tpu.enqueue_indirect_dma source(%dma_start3A_397 : memref<8192x64xf32, #tpu.memory_space<vmem_shared>>) target(%dma_start3A_391 : memref<128x64xf32, #tpu.memory_space<vmem>>) offsets(%dma_start3A_394 : memref<128xi32, #tpu.memory_space<vmem>>) semaphore(%arg9 : memref<!tpu.dma_semaphore, #tpu.memory_space<semaphore_mem>>)
      %mul3A_398 = arith.constant 4 : i32
      %mul3A_399 = arith.muli %add3A_384, %mul3A_398 : i32
      %add3A_400 = arith.constant 1 : i32
      %add3A_401 = arith.addi %mul3A_399, %add3A_400 : i32
      %dma_start3A_402 = arith.constant 128 : i32
      %dma_start3A_403 = arith.constant 0 : i32
      %dma_start3A_404 = tpu.memref_slice %arg7[%dma_start3A_402, %dma_start3A_403] : memref<512x64xf32, #tpu.memory_space<vmem>> -> memref<128x64xf32, #tpu.memory_space<vmem>>
      %dma_start3A_405 = arith.constant 0 : i32
      %dma_start3A_406 = tpu.memref_slice %arg5[%add3A_401, %dma_start3A_405] : memref<200x128xi32, #tpu.memory_space<vmem>> -> memref<1x128xi32, #tpu.memory_space<vmem>>
      %dma_start3A_407 = tpu.memref_squeeze %dma_start3A_406 : memref<1x128xi32, #tpu.memory_space<vmem>> -> memref<128xi32, #tpu.memory_space<vmem>>
      %dma_start3A_408 = arith.constant 0 : i32
      %dma_start3A_409 = arith.constant 0 : i32
      %dma_start3A_410 = tpu.memref_slice %arg8[%dma_start3A_408, %dma_start3A_409] : memref<8192x64xf32, #tpu.memory_space<vmem_shared>> -> memref<8192x64xf32, #tpu.memory_space<vmem_shared>>
      tpu.enqueue_indirect_dma source(%dma_start3A_410 : memref<8192x64xf32, #tpu.memory_space<vmem_shared>>) target(%dma_start3A_404 : memref<128x64xf32, #tpu.memory_space<vmem>>) offsets(%dma_start3A_407 : memref<128xi32, #tpu.memory_space<vmem>>) semaphore(%arg9 : memref<!tpu.dma_semaphore, #tpu.memory_space<semaphore_mem>>)
      %mul3A_411 = arith.constant 4 : i32
      %mul3A_412 = arith.muli %add3A_384, %mul3A_411 : i32
      %add3A_413 = arith.constant 2 : i32
      %add3A_414 = arith.addi %mul3A_412, %add3A_413 : i32
      %dma_start3A_415 = arith.constant 256 : i32
      %dma_start3A_416 = arith.constant 0 : i32
      %dma_start3A_417 = tpu.memref_slice %arg7[%dma_start3A_415, %dma_start3A_416] : memref<512x64xf32, #tpu.memory_space<vmem>> -> memref<128x64xf32, #tpu.memory_space<vmem>>
      %dma_start3A_418 = arith.constant 0 : i32
      %dma_start3A_419 = tpu.memref_slice %arg5[%add3A_414, %dma_start3A_418] : memref<200x128xi32, #tpu.memory_space<vmem>> -> memref<1x128xi32, #tpu.memory_space<vmem>>
      %dma_start3A_420 = tpu.memref_squeeze %dma_start3A_419 : memref<1x128xi32, #tpu.memory_space<vmem>> -> memref<128xi32, #tpu.memory_space<vmem>>
      %dma_start3A_421 = arith.constant 0 : i32
      %dma_start3A_422 = arith.constant 0 : i32
      %dma_start3A_423 = tpu.memref_slice %arg8[%dma_start3A_421, %dma_start3A_422] : memref<8192x64xf32, #tpu.memory_space<vmem_shared>> -> memref<8192x64xf32, #tpu.memory_space<vmem_shared>>
      tpu.enqueue_indirect_dma source(%dma_start3A_423 : memref<8192x64xf32, #tpu.memory_space<vmem_shared>>) target(%dma_start3A_417 : memref<128x64xf32, #tpu.memory_space<vmem>>) offsets(%dma_start3A_420 : memref<128xi32, #tpu.memory_space<vmem>>) semaphore(%arg9 : memref<!tpu.dma_semaphore, #tpu.memory_space<semaphore_mem>>)
      %mul3A_424 = arith.constant 4 : i32
      %mul3A_425 = arith.muli %add3A_384, %mul3A_424 : i32
      %add3A_426 = arith.constant 3 : i32
      %add3A_427 = arith.addi %mul3A_425, %add3A_426 : i32
      %dma_start3A_428 = arith.constant 384 : i32
      %dma_start3A_429 = arith.constant 0 : i32
      %dma_start3A_430 = tpu.memref_slice %arg7[%dma_start3A_428, %dma_start3A_429] : memref<512x64xf32, #tpu.memory_space<vmem>> -> memref<128x64xf32, #tpu.memory_space<vmem>>
      %dma_start3A_431 = arith.constant 0 : i32
      %dma_start3A_432 = tpu.memref_slice %arg5[%add3A_427, %dma_start3A_431] : memref<200x128xi32, #tpu.memory_space<vmem>> -> memref<1x128xi32, #tpu.memory_space<vmem>>
      %dma_start3A_433 = tpu.memref_squeeze %dma_start3A_432 : memref<1x128xi32, #tpu.memory_space<vmem>> -> memref<128xi32, #tpu.memory_space<vmem>>
      %dma_start3A_434 = arith.constant 0 : i32
      %dma_start3A_435 = arith.constant 0 : i32
      %dma_start3A_436 = tpu.memref_slice %arg8[%dma_start3A_434, %dma_start3A_435] : memref<8192x64xf32, #tpu.memory_space<vmem_shared>> -> memref<8192x64xf32, #tpu.memory_space<vmem_shared>>
      tpu.enqueue_indirect_dma source(%dma_start3A_436 : memref<8192x64xf32, #tpu.memory_space<vmem_shared>>) target(%dma_start3A_430 : memref<128x64xf32, #tpu.memory_space<vmem>>) offsets(%dma_start3A_433 : memref<128xi32, #tpu.memory_space<vmem>>) semaphore(%arg9 : memref<!tpu.dma_semaphore, #tpu.memory_space<semaphore_mem>>)
      %mul3A_437 = arith.constant 512 : i32
      %mul3A_438 = arith.muli %add3A_321, %mul3A_437 : i32
      %add3A_439 = arith.addi %mul3A_2, %mul3A_438 : i32
      %dma_start3A_440 = arith.constant 0 : i32
      %dma_start3A_441 = tpu.memref_slice %arg4[%add3A_439, %dma_start3A_440] : memref<819200x64xf32, #tpu.memory_space<hbm>> -> memref<512x64xf32, #tpu.memory_space<hbm>>
      %dma_start3A_442 = arith.constant 0 : i32
      %dma_start3A_443 = tpu.memref_slice %arg4[%add3A_439, %dma_start3A_442] : memref<819200x64xf32, #tpu.memory_space<hbm>> -> memref<512x64xf32, #tpu.memory_space<hbm>>
      tpu.enqueue_dma source(%arg6 : memref<512x64xf32, #tpu.memory_space<vmem>>) target(%dma_start3A_443 : memref<512x64xf32, #tpu.memory_space<hbm>>) target_semaphore(%arg10 : memref<!tpu.dma_semaphore, #tpu.memory_space<semaphore_mem>>)
    }
    %scan3A_135 = arith.constant 24 : i32
    %dma_wait3A_136 = arith.constant 196 : i32
    %dma_wait3A_137 = arith.constant 0 : i32
    %dma_wait3A_138 = arith.constant 0 : i32
    %dma_wait3A_139 = tpu.memref_slice %arg7[%dma_wait3A_137, %dma_wait3A_138] : memref<512x64xf32, #tpu.memory_space<vmem>> -> memref<128x64xf32, #tpu.memory_space<vmem>>
    %dma_wait3A_140 = arith.constant 0 : i32
    %dma_wait3A_141 = tpu.memref_slice %arg5[%dma_wait3A_136, %dma_wait3A_140] : memref<200x128xi32, #tpu.memory_space<vmem>> -> memref<1x128xi32, #tpu.memory_space<vmem>>
    %dma_wait3A_142 = tpu.memref_squeeze %dma_wait3A_141 : memref<1x128xi32, #tpu.memory_space<vmem>> -> memref<128xi32, #tpu.memory_space<vmem>>
    %dma_wait3A_143 = arith.constant 0 : i32
    %dma_wait3A_144 = arith.constant 0 : i32
    %dma_wait3A_145 = tpu.memref_slice %arg8[%dma_wait3A_143, %dma_wait3A_144] : memref<8192x64xf32, #tpu.memory_space<vmem_shared>> -> memref<8192x64xf32, #tpu.memory_space<vmem_shared>>
    tpu.wait_indirect_dma semaphore(%arg9 : memref<!tpu.dma_semaphore, #tpu.memory_space<semaphore_mem>>) src(%dma_wait3A_145 : memref<8192x64xf32, #tpu.memory_space<vmem_shared>>) dst(%dma_wait3A_139 : memref<128x64xf32, #tpu.memory_space<vmem>>)
    %dma_wait3A_146 = arith.constant 197 : i32
    %dma_wait3A_147 = arith.constant 128 : i32
    %dma_wait3A_148 = arith.constant 0 : i32
    %dma_wait3A_149 = tpu.memref_slice %arg7[%dma_wait3A_147, %dma_wait3A_148] : memref<512x64xf32, #tpu.memory_space<vmem>> -> memref<128x64xf32, #tpu.memory_space<vmem>>
    %dma_wait3A_150 = arith.constant 0 : i32
    %dma_wait3A_151 = tpu.memref_slice %arg5[%dma_wait3A_146, %dma_wait3A_150] : memref<200x128xi32, #tpu.memory_space<vmem>> -> memref<1x128xi32, #tpu.memory_space<vmem>>
    %dma_wait3A_152 = tpu.memref_squeeze %dma_wait3A_151 : memref<1x128xi32, #tpu.memory_space<vmem>> -> memref<128xi32, #tpu.memory_space<vmem>>
    %dma_wait3A_153 = arith.constant 0 : i32
    %dma_wait3A_154 = arith.constant 0 : i32
    %dma_wait3A_155 = tpu.memref_slice %arg8[%dma_wait3A_153, %dma_wait3A_154] : memref<8192x64xf32, #tpu.memory_space<vmem_shared>> -> memref<8192x64xf32, #tpu.memory_space<vmem_shared>>
    tpu.wait_indirect_dma semaphore(%arg9 : memref<!tpu.dma_semaphore, #tpu.memory_space<semaphore_mem>>) src(%dma_wait3A_155 : memref<8192x64xf32, #tpu.memory_space<vmem_shared>>) dst(%dma_wait3A_149 : memref<128x64xf32, #tpu.memory_space<vmem>>)
    %dma_wait3A_156 = arith.constant 198 : i32
    %dma_wait3A_157 = arith.constant 256 : i32
    %dma_wait3A_158 = arith.constant 0 : i32
    %dma_wait3A_159 = tpu.memref_slice %arg7[%dma_wait3A_157, %dma_wait3A_158] : memref<512x64xf32, #tpu.memory_space<vmem>> -> memref<128x64xf32, #tpu.memory_space<vmem>>
    %dma_wait3A_160 = arith.constant 0 : i32
    %dma_wait3A_161 = tpu.memref_slice %arg5[%dma_wait3A_156, %dma_wait3A_160] : memref<200x128xi32, #tpu.memory_space<vmem>> -> memref<1x128xi32, #tpu.memory_space<vmem>>
    %dma_wait3A_162 = tpu.memref_squeeze %dma_wait3A_161 : memref<1x128xi32, #tpu.memory_space<vmem>> -> memref<128xi32, #tpu.memory_space<vmem>>
    %dma_wait3A_163 = arith.constant 0 : i32
    %dma_wait3A_164 = arith.constant 0 : i32
    %dma_wait3A_165 = tpu.memref_slice %arg8[%dma_wait3A_163, %dma_wait3A_164] : memref<8192x64xf32, #tpu.memory_space<vmem_shared>> -> memref<8192x64xf32, #tpu.memory_space<vmem_shared>>
    tpu.wait_indirect_dma semaphore(%arg9 : memref<!tpu.dma_semaphore, #tpu.memory_space<semaphore_mem>>) src(%dma_wait3A_165 : memref<8192x64xf32, #tpu.memory_space<vmem_shared>>) dst(%dma_wait3A_159 : memref<128x64xf32, #tpu.memory_space<vmem>>)
    %dma_wait3A_166 = arith.constant 199 : i32
    %dma_wait3A_167 = arith.constant 384 : i32
    %dma_wait3A_168 = arith.constant 0 : i32
    %dma_wait3A_169 = tpu.memref_slice %arg7[%dma_wait3A_167, %dma_wait3A_168] : memref<512x64xf32, #tpu.memory_space<vmem>> -> memref<128x64xf32, #tpu.memory_space<vmem>>
    %dma_wait3A_170 = arith.constant 0 : i32
    %dma_wait3A_171 = tpu.memref_slice %arg5[%dma_wait3A_166, %dma_wait3A_170] : memref<200x128xi32, #tpu.memory_space<vmem>> -> memref<1x128xi32, #tpu.memory_space<vmem>>
    %dma_wait3A_172 = tpu.memref_squeeze %dma_wait3A_171 : memref<1x128xi32, #tpu.memory_space<vmem>> -> memref<128xi32, #tpu.memory_space<vmem>>
    %dma_wait3A_173 = arith.constant 0 : i32
    %dma_wait3A_174 = arith.constant 0 : i32
    %dma_wait3A_175 = tpu.memref_slice %arg8[%dma_wait3A_173, %dma_wait3A_174] : memref<8192x64xf32, #tpu.memory_space<vmem_shared>> -> memref<8192x64xf32, #tpu.memory_space<vmem_shared>>
    tpu.wait_indirect_dma semaphore(%arg9 : memref<!tpu.dma_semaphore, #tpu.memory_space<semaphore_mem>>) src(%dma_wait3A_175 : memref<8192x64xf32, #tpu.memory_space<vmem_shared>>) dst(%dma_wait3A_169 : memref<128x64xf32, #tpu.memory_space<vmem>>)
    %add3A_176 = arith.constant 24576 : i32
    %add3A_177 = arith.addi %mul3A_2, %add3A_176 : i32
    %dma_wait3A_178 = arith.constant 0 : i32
    %dma_wait3A_179 = tpu.memref_slice %arg4[%add3A_177, %dma_wait3A_178] : memref<819200x64xf32, #tpu.memory_space<hbm>> -> memref<512x64xf32, #tpu.memory_space<hbm>>
    %dma_wait3A_180 = arith.constant 0 : i32
    %dma_wait3A_181 = tpu.memref_slice %arg4[%add3A_177, %dma_wait3A_180] : memref<819200x64xf32, #tpu.memory_space<hbm>> -> memref<512x64xf32, #tpu.memory_space<hbm>>
    tpu.wait_dma2 semaphore(%arg10 : memref<!tpu.dma_semaphore, #tpu.memory_space<semaphore_mem>>) src(%arg6 : memref<512x64xf32, #tpu.memory_space<vmem>>) dst(%dma_wait3A_181 : memref<512x64xf32, #tpu.memory_space<hbm>>)
    %add3A_182 = arith.constant 25088 : i32
    %add3A_183 = arith.addi %mul3A_2, %add3A_182 : i32
    %dma_start3A_184 = arith.constant 0 : i32
    %dma_start3A_185 = tpu.memref_slice %arg4[%add3A_183, %dma_start3A_184] : memref<819200x64xf32, #tpu.memory_space<hbm>> -> memref<512x64xf32, #tpu.memory_space<hbm>>
    %dma_start3A_186 = arith.constant 0 : i32
    %dma_start3A_187 = tpu.memref_slice %arg4[%add3A_183, %dma_start3A_186] : memref<819200x64xf32, #tpu.memory_space<hbm>> -> memref<512x64xf32, #tpu.memory_space<hbm>>
    tpu.enqueue_dma source(%arg7 : memref<512x64xf32, #tpu.memory_space<vmem>>) target(%dma_start3A_187 : memref<512x64xf32, #tpu.memory_space<hbm>>) target_semaphore(%arg10 : memref<!tpu.dma_semaphore, #tpu.memory_space<semaphore_mem>>)
    %add3A_188 = arith.constant 25088 : i32
    %add3A_189 = arith.addi %mul3A_2, %add3A_188 : i32
    %dma_wait3A_190 = arith.constant 0 : i32
    %dma_wait3A_191 = tpu.memref_slice %arg4[%add3A_189, %dma_wait3A_190] : memref<819200x64xf32, #tpu.memory_space<hbm>> -> memref<512x64xf32, #tpu.memory_space<hbm>>
    %dma_wait3A_192 = arith.constant 0 : i32
    %dma_wait3A_193 = tpu.memref_slice %arg4[%add3A_189, %dma_wait3A_192] : memref<819200x64xf32, #tpu.memory_space<hbm>> -> memref<512x64xf32, #tpu.memory_space<hbm>>
    tpu.wait_dma2 semaphore(%arg10 : memref<!tpu.dma_semaphore, #tpu.memory_space<semaphore_mem>>) src(%arg7 : memref<512x64xf32, #tpu.memory_space<vmem>>) dst(%dma_wait3A_193 : memref<512x64xf32, #tpu.memory_space<hbm>>)
    return
  }
}

</mosaic_0001>

<sc_bundles>
// kernel: kernel.3.cloned.1.call-start
scs
__scs_entry_jumppad:
0x0: {  	(pc) =	sbr.rel $0x88, $3  }
0x1: {  	(tag) =	ssettag $0x0;
	lr =	simm.s32 $0x1  }
0x2: {  	[smem:$0x3F9F] =	sst lr;
	_ =	strace $0xD0000000  }
0x3: {  	_ = 	snop  }
0x4: {  	_ = 	snop  }
0x5: {  	_ = 	snop  }
0x6: {  	_ = 	snop  }
0x7: {  	_ = 	snop  }
__scs_overlays_trampoline_lowered:
0x8: {  	[smem:$0x3FAE] =	sst s0  }
0x9: {  	[smem:$0x3FAF] =	sst s1  }
0xa: {  	[smem:$0x3FB0] =	sst s2  }
0xb: {  	[smem:$0x3FB1] =	sst s3  }
0xc: {  	[smem:$0x3FB2] =	sst s4  }
0xd: {  	[smem:$0x3FB3] =	sst s5  }
0xe: {  	[smem:$0x3FB4] =	sst s6  }
0xf: {  	[smem:$0x3FB5] =	sst s7  }
0x10: {  	[smem:$0x3FB6] =	sst s8  }
0x11: {  	[smem:$0x3FB7] =	sst s9;
	s0 =	simm.s32 @!p0 $0x0  }
0x12: {  	s1 =	sld [smem:$0x3F9D];
	s0 =	simm.s32 @p0 $0x1  }
0x13: {  	[smem:$0x3FB8] =	sst s0;
	s0 =	simm.s32 @!p1 $0x0  }
0x14: {  	s2 =	sld [smem:$0x3F9C];
	s0 =	simm.s32 @p1 $0x1  }
0x15: {  	[smem:$0x3FB9] =	sst s0;
	s0 =	simm.s32 @!p2 $0x0  }
0x16: {  	s3 =	sld [smem:$0x3FDB];
	s0 =	simm.s32 @p2 $0x1  }
0x17: {  	s4 =	simm.s32 $0x1BF5;
	[smem:$0x3FBB] =	sst s0  }
0x18: {  	s0 =	sld [smem:$0x3F9E];
	_ =	swait.ge [sflag:s4], $0x0  }
0x19: {  	s7 =	sld [smem:$0x3F9F]  }
0x1a: {  	s8 =	sadd.s32 $0xFFFFE003, lr  }
0x1b: {  	s9 =	sadd.s32 $0xFFFFFEF7, lr;
	s5 =	simm.s32 $0xFFFFFFFF;
	p2 =	slt.u32 s8, $0xFFFFF086  }
0x1c: {  	p1 =	slt.u32 s9, $0xF7A;
	s5 =	simm.s32 @!p2 $0x0  }
0x1d: {  	s5 =	simm.s32 @p1 $0x1;
	p0 =	seq.s32 s7, s2  }
0x1e: {  	s7 =	smul.u32 @!p0 $0xF7A, s2;
	p2 =	seq.s32 @!p0 s5, $0x0  }
0x1f: {  	s9 =	smul.u32 $0xF7A, s1;
	s8 =	simm.s32 @!p0 $0x1BF5;
	p2 =	por !p2, p0  }
0x20: {  	[sflag:s8] =	ssyncset.s32 @!p0 $0xFFFFF086;
	s6 =	sadd.s32 @!p0 s3, s7;
	s7 =	simm.s32 @!p0 $0x108  }
0x21: {  	s3 =	sadd.s32 s3, s9;
	s6 =	sadd.s32 @!p0 $0x88, s6;
	s7 =	simm.s32 @p2 $0x1082  }
0x22: {  	[simem:s7], [sflag:s8] =	dma.local @!p0 [hbm:s6], $0xF7A  }
0x23: {  	s9 =	sor.u32 $0xD0000000, s2;
	s6 =	simm.s32 $0x108;
	_ =	swait.ge @!p0 [sflag:s8], $0x0  }
0x24: {  	s3 =	sadd.s32 $0x88, s3;
	s6 =	simm.s32 @!p1 $0x1082;
	[sflag:s4] =	ssyncset.s32 $0xFFFFF086  }
0x25: {  	[simem:s6], [sflag:s4] =	dma.local [hbm:s3], $0xF7A  }
0x26: {  	[smem:$0x3F9F] =	sst s1;
	(tag) =	ssettag s2;
	_ =	strace s9  }
0x27: {  	s1 =	sld [smem:$0x3FAF]  }
0x28: {  	s2 =	sld [smem:$0x3FB0]  }
0x29: {  	s4 =	sld [smem:$0x3FB2]  }
0x2a: {  	p0 =	seq.s32 s5, $0x0;
	s5 =	sld [smem:$0x3FB3]  }
0x2b: {  	s6 =	sld [smem:$0x3FB4]  }
0x2c: {  	s7 =	sld [smem:$0x3FB5]  }
0x2d: {  	s3 =	simm.s32 $0x108;
	s8 =	sld [smem:$0x3FB6]  }
0x2e: {  	s3 =	simm.s32 @!p0 $0x1082;
	s9 =	sld [smem:$0x3FB7]  }
0x2f: {  	lr =	sadd.s32 s0, s3;
	s0 =	sld [smem:$0x3FAE]  }
0x30: {  	s3 =	sld [smem:$0x3FB1]  }
0x31: {  	[smem:$0x3FBA] =	sst s10  }
0x32: {  	s10 =	sld [smem:$0x3FB8];
	_ =	sdelay $0x3  }
0x33: {  	p0 =	seq.s32 s10, $0x1;
	s10 =	sld [smem:$0x3FBA];
	_ =	sdelay $0x3  }
0x34: {  	[smem:$0x3FBA] =	sst s10  }
0x35: {  	s10 =	sld [smem:$0x3FB9];
	_ =	sdelay $0x3  }
0x36: {  	p1 =	seq.s32 s10, $0x1;
	s10 =	sld [smem:$0x3FBA];
	_ =	sdelay $0x3  }
0x37: {  	[smem:$0x3FBA] =	sst s10  }
0x38: {  	s10 =	sld [smem:$0x3FBB]  }
0x39: {  	_ = 	snop;
	(pc) =	sbr.ind lr, $3  }
0x3a: {  	_ = 	snop  }
0x3b: {  	_ = 	snop  }
0x3c: {  	p2 =	seq.s32 s10, $0x1;
	s10 =	sld [smem:$0x3FBA]  }
0x3d: {  	_ =	shalt  }
0x3e: {  	_ =	shalt  }
0x3f: {  	_ =	shalt  }
0x40: {  	_ =	shalt  }
0x41: {  	_ =	shalt  }
0x42: {  	_ =	shalt  }
0x43: {  	_ =	shalt  }
0x44: {  	_ =	shalt  }
0x45: {  	_ =	shalt  }
0x46: {  	_ =	shalt  }
0x47: {  	_ =	shalt  }
0x48: {  	_ =	shalt  }
0x49: {  	_ =	shalt  }
0x4a: {  	_ =	shalt  }
0x4b: {  	_ =	shalt  }
0x4c: {  	_ =	shalt  }
0x4d: {  	_ =	shalt  }
0x4e: {  	_ =	shalt  }
0x4f: {  	_ =	shalt  }
0x50: {  	_ =	shalt  }
0x51: {  	_ =	shalt  }
0x52: {  	_ =	shalt  }
0x53: {  	_ =	shalt  }
0x54: {  	_ =	shalt  }
0x55: {  	_ =	shalt  }
0x56: {  	_ =	shalt  }
0x57: {  	_ =	shalt  }
0x58: {  	_ =	shalt  }
0x59: {  	_ =	shalt  }
0x5a: {  	_ =	shalt  }
0x5b: {  	_ =	shalt  }
0x5c: {  	_ =	shalt  }
0x5d: {  	_ =	shalt  }
0x5e: {  	_ =	shalt  }
0x5f: {  	_ =	shalt  }
0x60: {  	_ =	shalt  }
0x61: {  	_ =	shalt  }
0x62: {  	_ =	shalt  }
0x63: {  	_ =	shalt  }
0x64: {  	_ =	shalt  }
0x65: {  	_ =	shalt  }
0x66: {  	_ =	shalt  }
0x67: {  	_ =	shalt  }
0x68: {  	_ =	shalt  }
0x69: {  	_ =	shalt  }
0x6a: {  	_ =	shalt  }
0x6b: {  	_ =	shalt  }
0x6c: {  	_ =	shalt  }
0x6d: {  	_ =	shalt  }
0x6e: {  	_ =	shalt  }
0x6f: {  	_ =	shalt  }
0x70: {  	_ =	shalt  }
0x71: {  	_ =	shalt  }
0x72: {  	_ =	shalt  }
0x73: {  	_ =	shalt  }
0x74: {  	_ =	shalt  }
0x75: {  	_ =	shalt  }
0x76: {  	_ =	shalt  }
0x77: {  	_ =	shalt  }
0x78: {  	_ =	shalt  }
0x79: {  	_ =	shalt  }
0x7a: {  	_ =	shalt  }
0x7b: {  	_ =	shalt  }
0x7c: {  	_ =	shalt  }
0x7d: {  	_ =	shalt  }
0x7e: {  	_ =	shalt  }
0x7f: {  	_ =	shalt  }
0x80: {  	_ =	shalt  }
0x81: {  	_ =	shalt  }
0x82: {  	_ =	shalt  }
0x83: {  	_ =	shalt  }
0x84: {  	_ =	shalt  }
0x85: {  	_ =	shalt  }
0x86: {  	_ =	shalt  }
0x87: {  	_ =	shalt  }
.Lfunc_end0:
.L_simem_size_0:
called_computation.1_lowered:
.L_overlay_start_0:
0x88: {  	s2 =	sld [smem:$0x3FD9]  }
0x89: {  	s3 =	sld [smem:$0x3FFE];
	_ =	sdelay $0x1  }
0x8a: {  	s1 =	srdreg.scid  }
0x8b: {  	s0 =	sand.u32 $0x1, s1  }
0x8c: {  	s17 =	sshll.u32 s0, $0xA;
	s2 =	sadd.s32 s3, s2  }
0x8d: {  	s2 =	sadd.s32 s2, s17  }
0x8e: {  	[smem:$0x3FC6] =	sst s2  }
0x8f: {  	_ = 	snop  }
0x90: {  	s2 =	sld [smem:$0x3FD0];
	(tm) =	ssettm $0x1  }
0x91: {  	s18 =	sld [smem:$0x3FFB];
	_ =	sdelay $0x3  }
0x92: {  	_ =	strace s18  }
0x93: {  	s3 =	sld [smem:$0x3FFC];
	_ =	sdelay $0x3  }
0x94: {  	_ =	strace s3  }
0x95: {  	s3 =	sld [smem:$0x3FFD];
	_ =	sdelay $0x3  }
0x96: {  	_ =	strace s3  }
0x97: {  	_ =	strace $0x8FFFFFFF  }
0x98: {  	s19 =	sld [smem:$0x3FDB];
	_ =	sdelay $0x1  }
0x99: {  	s4 =	simm.s32 $_scs_section_size  }
0x9a: {  	s5 =	simm.s32 $_size__tile_overlayer_lowered;
	s6 =	simm.s32 $_tile_overlayer_lowered  }
0x9b: {  	s22 =	simm.s32 $0x1BFF;
	s21 =	sshll.u32 s6, $0x1;
	s3 =	sadd.s32 s4, s19  }
0x9c: {  	s7 =	simm.s32 $0x0;
	s20 =	sshll.u32 s5, $0x1;
	s5 =	sadd.s32 s21, s3  }
0x9d: {  	[timem:s7], [sflag:s22] =	dma.local [hbm:s5], s20  }
0x9e: {  	_ =	swait.ge [sflag:s22], s20  }
0x9f: {  	s4 =	ssub.s32 $0x0, s20;
	[sflag:s22] =	ssyncset.done $0x0  }
0xa0: {  	[sflag:s22] =	ssyncadd.s32 s4;
	_ =	sdelay $0x1  }
0xa1: {  	s23 =	simm.s32 $0x1B8B  }
0xa2: {  	_ =	swait.ge [sflag:s23], $0x1  }
0xa3: {  	[sflag:s23] =	ssyncset.done $0x0  }
0xa4: {  	s25 =	simm.s32 $0x1B8E;
	s24 =	sld [smem:$0x3FFE];
	[sflag:s23] =	ssyncadd.s32 $0xFFFFFFFF  }
0xa5: {  	s26 =	simm.s32 $execute0_lowered;
	[smem:$0x3FD2] =	sst s25  }
0xa6: {  	s5 =	sshll.u32 s26, $0x1;
	_ =	strace $0x80000046;
	[dreg:$0x1] =	wrdreg $0xFFFFFFFF  }
0xa7: {  	s28 =	simm.s32 $_size_execute0_lowered;
	s3 =	sadd.s32 s3, s5;
	[dreg:$0x0] =	wrdreg $0x0  }
0xa8: {  	s5 =	sshll.u32 s28, $0x1;
	[dreg:$0x2] =	wrdreg s3  }
0xa9: {  	[dreg:$0x3] =	wrdreg s5  }
0xaa: {  	[dreg:$0x4] =	wrdreg $0xC0  }
0xab: {  	_ =	task [dreg:s7], $0x5FFFF  }
0xac: {  	[dreg:$0x1] =	wrdreg $0xFFFFFFFF  }
0xad: {  	[dreg:$0x0] =	wrdreg $0x60  }
0xae: {  	[dreg:$0x2] =	wrdreg s24  }
0xaf: {  	[dreg:$0x3] =	wrdreg s2  }
0xb0: {  	[dreg:$0x4] =	wrdreg $0x164000  }
0xb1: {  	[dreg:$0x5] =	wrdreg $0x9  }
0xb2: {  	_ =	task.clear_ibuf [dreg:s7], $0x6FFFF;
	_ =	strace $0x90000046  }
0xb3: {  	s29 =	simm.s32 $0x9;
	_ =	strace $0x80000048  }
0xb4: {  	_ =	swait.ge [sflag:s29], $0x1  }
0xb5: {  	[sflag:s29] =	ssyncadd.s32 $0xFFFFFFFF  }
0xb6: {  	_ =	strace $0x90000048  }
0xb7: {  	_ =	sfence  }
0xb8: {  	s30 =	sld [smem:$0x0];
	_ =	sdelay $0x2  }
0xb9: {  	s31 =	sshll.u32 s1, $0xD;
	s1 =	sshrl.u32 s1, $0x2  }
0xba: {  	s3 =	sand.u32 $0x4000, s31;
	s1 =	sadd.s32 s1, s30  }
0xbb: {  	s0 =	sor.u32 s3, s0;
	s1 =	sshll.u32 s1, $0x11  }
0xbc: {  	s0 =	sor.u32 s1, s0  }
0xbd: {  	s0 =	sadd.s32 $0x8F2B, s0  }
0xbe: {  	[sflag:s0] =	ssyncadd.remote.s32 $0x1  }
0xbf: {  	_ =	sfence.sel $0xFFFF  }
0xc0: {  	[dreg:$0x0] =	wrdreg $0xFFFFFFFF;
	(pc) =	sbr.abs _section_cstart, $3  }
0xc1: {  	[dreg:$0x1] =	wrdreg $0xFFFFFFFF  }
0xc2: {  	_ =	task.clear_ibuf [dreg:s7], $0x2FFFF;
	_ =	strace $0x9FFFFFFF  }
0xc3: {  	(tm) =	ssettm $0x7FFFFFFF  }
tec
execute0_lowered:
.L_overlay_start_1:
0x0: {  	(tag) =	ssettag $0x1  }
0x1: {  	s0 =	rddreg [dreg:$0x0]  }
0x2: {  	s2 =	rddreg [dreg:$0x1]  }
0x3: {  	s1 =	srdreg.scid;
	s12 =	stileid.u32  }
0x4: {  	s3 =	rddreg [dreg:$0x2];
	s4 =	simm.s32 $0x0;
	s15 =	simm.s32 $0x80  }
0x5: {  	s16 =	simm.s32 $0x6400;
	s17 =	simm.s32 $0x8400;
	s1 =	sand.u32 $0x1, s1  }
0x6: {  	s5 =	sshll.u32 s12, $0x1;
	s21 =	sshll.u32 s12, $0xC;
	s11 =	smul.u32 $0x64000, s12  }
0x7: {  	s23 =	sshll.u32 s12, $0xF;
	s25 =	sshll.u32 s12, $0x6;
	s12 =	smul.u32 $0x320000, s12  }
0x8: {  	s19 =	simm.s32 $0xA400;
	s29 =	simm.s32 $0x12400;
	s26 =	smul.u32 $0x32000, s1  }
0x9: {  	s5 =	sor.u32 s1, s5;
	s8 =	ssub.s32 $0x2, s1;
	s1 =	smul.u32 $0x190000, s1  }
0xa: {  	s30 =	simm.s32 $0x380;
	[smem:$0x7FF] =	sst s4;
	s6 =	smul.u32 $0xC80, s5  }
0xb: {  	s31 =	simm.s32 $0x14400;
	_ =	strace $0x80000047;
	s9 =	smul.u32 $0x32000, s5  }
0xc: {  	s13 =	sadd.s32 s23, s3;
	s22 =	sshrl.u32 s8, $0x1;
	s24 =	smul.u32 $0x190000, s5  }
0xd: {  	s11 =	sadd.s32 s11, s2;
	s13 =	sshrl.u32 s13, $0x3;
	s10 =	ssub.s32 s8, s22  }
0xe: {  	s28 =	sadd.s32 s1, s12;
	s22 =	simm.s32 $0x1;
	s1 =	simm.s32 $0x2  }
0xf: {  	s7 =	sadd.s32 s6, s0;
	s0 =	sadd.s32 s21, s0;
	s6 =	sor.u32 $0x1C03, s25  }
0x10: {  	s8 =	sshrl.u32 s24, $0x3;
	s10 =	smax.u32 s10, $0x1;
	s12 =	sadd.s32 $0x10000, s28  }
0x11: {  	s21 =	simm.s32 $0xC400;
	s24 =	simm.s32 $0xE400;
	s5 =	sadd.s32 $0x19A00, s0  }
0x12: {  	s7 =	sadd.s32 $0xA00, s7;
	s14 =	sadd.s32 s2, s8;
	s8 =	sadd.s32 s2, s9  }
0x13: {  	s0 =	sadd.s32 s26, s11;
	s26 =	simm.s32 $0x10400;
	s9 =	sadd.s32 $0x31000, s14  }
0x14: {  	s11 =	sadd.s32 $0x1000, s0;
	s14 =	simm.s32 $0x3;
	s0 =	simm.s32 $0x0  }
.LBB2_1:
0x15: {  	[spmem:s13], [sflag:s6] =	dma.local [hbm:s5], $0x1000  }
0x16: {  	_ =	swait.ge [sflag:s14], $0x1000  }
0x17: {  	[sflag:s14] =	ssyncset.done $0x0  }
0x18: {  	[sflag:s14] =	ssyncadd.s32 $0xFFFFF000  }
0x19: {  	[tilespmem:s4], [sflag:$0x3] =	stream.linear.gather [hbm4b:s7+s4], $0x6400, $0x38;
	[tilespmem:$0x1E400] =	vst v63  }
0x1a: {  	_ =	swait.ge [sflag:s14], $0x6400  }
0x1b: {  	[sflag:s14] =	ssyncset.done $0x0  }
0x1c: {  	[sflag:s14] =	ssyncadd.s32 $0xFFFF9C00  }
0x1d: {  	[bflag:$0x0] =	sbarrier.arrive $0xFFFF  }
0x1e: {  	[tilespmem:s16], [sflag:$0x1] =	stream.indirect.gather [spmem:s3], $0x40, s4, s15, $0xb8;
	[tilespmem:$0x1E400] =	vst v63  }
0x1f: {  	_ = 	snop  }
0x20: {  	[tilespmem:s17], [sflag:$0x1] =	stream.indirect.gather [spmem:s3], $0x40, s15, s15, $0xb8;
	[tilespmem:$0x1E400] =	vst v63  }
0x21: {  	s18 =	simm.s32 $0x100  }
0x22: {  	[tilespmem:s19], [sflag:$0x1] =	stream.indirect.gather [spmem:s3], $0x40, s18, s15, $0xb8;
	[tilespmem:$0x1E400] =	vst v63  }
0x23: {  	s20 =	simm.s32 $0x180  }
0x24: {  	[tilespmem:s21], [sflag:$0x1] =	stream.indirect.gather [spmem:s3], $0x40, s20, s15, $0xb8;
	[tilespmem:$0x1E400] =	vst v63  }
0x25: {  	_ =	swait.ge [sflag:s22], $0x2000  }
0x26: {  	[sflag:s22] =	ssyncset.done $0x0  }
0x27: {  	[sflag:s22] =	ssyncadd.s32 $0xFFFFE000  }
0x28: {  	_ =	swait.ge [sflag:s22], $0x2000  }
0x29: {  	[sflag:s22] =	ssyncset.done $0x0  }
0x2a: {  	[sflag:s22] =	ssyncadd.s32 $0xFFFFE000  }
0x2b: {  	_ =	swait.ge [sflag:s22], $0x2000  }
0x2c: {  	[sflag:s22] =	ssyncset.done $0x0  }
0x2d: {  	[sflag:s22] =	ssyncadd.s32 $0xFFFFE000  }
0x2e: {  	_ =	swait.ge [sflag:s22], $0x2000  }
0x2f: {  	[sflag:s22] =	ssyncset.done $0x0  }
0x30: {  	s23 =	simm.s32 $0x200;
	[sflag:s22] =	ssyncadd.s32 $0xFFFFE000  }
0x31: {  	[tilespmem:s24], [sflag:$0x1] =	stream.indirect.gather [spmem:s3], $0x40, s23, s15, $0xb8;
	[tilespmem:$0x1E400] =	vst v63  }
0x32: {  	s25 =	simm.s32 $0x280  }
0x33: {  	[tilespmem:s26], [sflag:$0x1] =	stream.indirect.gather [spmem:s3], $0x40, s25, s15, $0xb8;
	[tilespmem:$0x1E400] =	vst v63  }
0x34: {  	s28 =	simm.s32 $0x300  }
0x35: {  	[tilespmem:s29], [sflag:$0x1] =	stream.indirect.gather [spmem:s3], $0x40, s28, s15, $0xb8;
	[tilespmem:$0x1E400] =	vst v63  }
0x36: {  	_ = 	snop  }
0x37: {  	[tilespmem:s31], [sflag:$0x1] =	stream.indirect.gather [spmem:s3], $0x40, s30, s15, $0xb8;
	[tilespmem:$0x1E400] =	vst v63  }
0x38: {  	_ = 	snop  }
0x39: {  	[hbm4b:s8+s4] =	stream.linear.scatter [tilespmem:s16], [sflag:$0x2], $0x8000, $0x38;
	[tilespmem:$0x1E400] =	vst v63  }
0x3a: {  	_ =	swait.ge [sflag:s22], $0x2000  }
0x3b: {  	[sflag:s22] =	ssyncset.done $0x0  }
0x3c: {  	[sflag:s22] =	ssyncadd.s32 $0xFFFFE000  }
0x3d: {  	_ =	swait.ge [sflag:s22], $0x2000  }
0x3e: {  	[sflag:s22] =	ssyncset.done $0x0  }
0x3f: {  	[sflag:s22] =	ssyncadd.s32 $0xFFFFE000  }
0x40: {  	_ =	swait.ge [sflag:s22], $0x2000  }
0x41: {  	[sflag:s22] =	ssyncset.done $0x0  }
0x42: {  	[sflag:s22] =	ssyncadd.s32 $0xFFFFE000  }
0x43: {  	_ =	swait.ge [sflag:s22], $0x2000  }
0x44: {  	[sflag:s22] =	ssyncset.done $0x0  }
0x45: {  	[sflag:s22] =	ssyncadd.s32 $0xFFFFE000  }
0x46: {  	_ =	swait.ge [sflag:s1], $0x8000  }
0x47: {  	[sflag:s1] =	ssyncset.done $0x0  }
0x48: {  	s20 =	simm.s32 $0x400;
	[sflag:s1] =	ssyncadd.s32 $0xFFFF8000  }
0x49: {  	[tilespmem:s16], [sflag:$0x1] =	stream.indirect.gather [spmem:s3], $0x40, s20, s15, $0xb8;
	[tilespmem:$0x1E400] =	vst v63  }
0x4a: {  	s23 =	simm.s32 $0x480  }
0x4b: {  	[tilespmem:s17], [sflag:$0x1] =	stream.indirect.gather [spmem:s3], $0x40, s23, s15, $0xb8;
	[tilespmem:$0x1E400] =	vst v63  }
0x4c: {  	s25 =	simm.s32 $0x500  }
0x4d: {  	[tilespmem:s19], [sflag:$0x1] =	stream.indirect.gather [spmem:s3], $0x40, s25, s15, $0xb8;
	[tilespmem:$0x1E400] =	vst v63  }
0x4e: {  	s28 =	simm.s32 $0x580  }
0x4f: {  	[tilespmem:s21], [sflag:$0x1] =	stream.indirect.gather [spmem:s3], $0x40, s28, s15, $0xb8;
	[tilespmem:$0x1E400] =	vst v63  }
0x50: {  	_ = 	snop  }
0x51: {  	[hbm4b:s11+s4] =	stream.linear.scatter [tilespmem:s24], [sflag:$0x2], $0x8000, $0x38;
	[tilespmem:$0x1E400] =	vst v63  }
0x52: {  	_ =	swait.ge [sflag:s22], $0x2000  }
0x53: {  	[sflag:s22] =	ssyncset.done $0x0  }
0x54: {  	[sflag:s22] =	ssyncadd.s32 $0xFFFFE000  }
0x55: {  	_ =	swait.ge [sflag:s22], $0x2000  }
0x56: {  	[sflag:s22] =	ssyncset.done $0x0  }
0x57: {  	[sflag:s22] =	ssyncadd.s32 $0xFFFFE000  }
0x58: {  	_ =	swait.ge [sflag:s22], $0x2000  }
0x59: {  	[sflag:s22] =	ssyncset.done $0x0  }
0x5a: {  	[sflag:s22] =	ssyncadd.s32 $0xFFFFE000  }
0x5b: {  	_ =	swait.ge [sflag:s22], $0x2000  }
0x5c: {  	[sflag:s22] =	ssyncset.done $0x0  }
0x5d: {  	[sflag:s22] =	ssyncadd.s32 $0xFFFFE000  }
0x5e: {  	_ =	swait.ge [sflag:s1], $0x8000  }
0x5f: {  	[sflag:s1] =	ssyncset.done $0x0  }
0x60: {  	s20 =	simm.s32 $0x600;
	[sflag:s1] =	ssyncadd.s32 $0xFFFF8000  }
0x61: {  	[tilespmem:s24], [sflag:$0x1] =	stream.indirect.gather [spmem:s3], $0x40, s20, s15, $0xb8;
	[tilespmem:$0x1E400] =	vst v63  }
0x62: {  	s18 =	simm.s32 $0x1000;
	s23 =	simm.s32 $0x680  }
0x63: {  	[tilespmem:s26], [sflag:$0x1] =	stream.indirect.gather [spmem:s3], $0x40, s23, s15, $0xb8;
	[tilespmem:$0x1E400] =	vst v63  }
0x64: {  	s25 =	simm.s32 $0x700;
	s28 =	simm.s32 $0x780;
	s20 =	sshrl.u32 s12, $0x3  }
0x65: {  	[tilespmem:s29], [sflag:$0x1] =	stream.indirect.gather [spmem:s3], $0x40, s25, s15, $0xb8;
	[tilespmem:$0x1E400] =	vst v63  }
0x66: {  	s23 =	sadd.s32 $0x10000, s12;
	s25 =	sadd.s32 s2, s20;
	s20 =	sadd.s32 $0x2000, s11  }
0x67: {  	[tilespmem:s31], [sflag:$0x1] =	stream.indirect.gather [spmem:s3], $0x40, s28, s15, $0xb8;
	[tilespmem:$0x1E400] =	vst v63  }
.LBB2_2:
0x68: {  	[hbm4b:s25+s4] =	stream.linear.scatter [tilespmem:s16], [sflag:$0x2], $0x8000, $0x38;
	[tilespmem:$0x1E400] =	vst v63  }
0x69: {  	s25 =	smov.u32 s18  }
0x6a: {  	p0 =	sne.s32 s18, $0x17000;
	s18 =	sadd.s32 $0x1000, s18;
	_ =	swait.ge [sflag:s22], $0x2000  }
0x6b: {  	[sflag:s22] =	ssyncset.done $0x0  }
0x6c: {  	[sflag:s22] =	ssyncadd.s32 $0xFFFFE000  }
0x6d: {  	_ =	swait.ge [sflag:s22], $0x2000  }
0x6e: {  	[sflag:s22] =	ssyncset.done $0x0  }
0x6f: {  	[sflag:s22] =	ssyncadd.s32 $0xFFFFE000  }
0x70: {  	_ =	swait.ge [sflag:s22], $0x2000  }
0x71: {  	[sflag:s22] =	ssyncset.done $0x0  }
0x72: {  	[sflag:s22] =	ssyncadd.s32 $0xFFFFE000  }
0x73: {  	_ =	swait.ge [sflag:s22], $0x2000  }
0x74: {  	[sflag:s22] =	ssyncset.done $0x0  }
0x75: {  	[sflag:s22] =	ssyncadd.s32 $0xFFFFE000  }
0x76: {  	_ =	swait.ge [sflag:s1], $0x8000  }
0x77: {  	s25 =	sshra.s32 s25, $0x2;
	[sflag:s1] =	ssyncset.done $0x0  }
0x78: {  	s28 =	sadd.s32 $0x400, s25;
	[sflag:s1] =	ssyncadd.s32 $0xFFFF8000  }
0x79: {  	[tilespmem:s16], [sflag:$0x1] =	stream.indirect.gather [spmem:s3], $0x40, s28, s15, $0xb8;
	[tilespmem:$0x1E400] =	vst v63  }
0x7a: {  	s28 =	sadd.s32 $0x480, s25  }
0x7b: {  	[tilespmem:s17], [sflag:$0x1] =	stream.indirect.gather [spmem:s3], $0x40, s28, s15, $0xb8;
	[tilespmem:$0x1E400] =	vst v63  }
0x7c: {  	s28 =	sadd.s32 $0x500, s25  }
0x7d: {  	[tilespmem:s19], [sflag:$0x1] =	stream.indirect.gather [spmem:s3], $0x40, s28, s15, $0xb8;
	[tilespmem:$0x1E400] =	vst v63  }
0x7e: {  	s28 =	sadd.s32 $0x580, s25  }
0x7f: {  	[tilespmem:s21], [sflag:$0x1] =	stream.indirect.gather [spmem:s3], $0x40, s28, s15, $0xb8;
	[tilespmem:$0x1E400] =	vst v63  }
0x80: {  	_ = 	snop  }
0x81: {  	[hbm4b:s20+s4] =	stream.linear.scatter [tilespmem:s24], [sflag:$0x2], $0x8000, $0x38;
	[tilespmem:$0x1E400] =	vst v63  }
0x82: {  	_ =	swait.ge [sflag:s22], $0x2000  }
0x83: {  	[sflag:s22] =	ssyncset.done $0x0  }
0x84: {  	[sflag:s22] =	ssyncadd.s32 $0xFFFFE000  }
0x85: {  	_ =	swait.ge [sflag:s22], $0x2000  }
0x86: {  	[sflag:s22] =	ssyncset.done $0x0  }
0x87: {  	[sflag:s22] =	ssyncadd.s32 $0xFFFFE000  }
0x88: {  	_ =	swait.ge [sflag:s22], $0x2000  }
0x89: {  	[sflag:s22] =	ssyncset.done $0x0  }
0x8a: {  	[sflag:s22] =	ssyncadd.s32 $0xFFFFE000  }
0x8b: {  	_ =	swait.ge [sflag:s22], $0x2000  }
0x8c: {  	[sflag:s22] =	ssyncset.done $0x0  }
0x8d: {  	[sflag:s22] =	ssyncadd.s32 $0xFFFFE000  }
0x8e: {  	_ =	swait.ge [sflag:s1], $0x8000  }
0x8f: {  	[sflag:s1] =	ssyncset.done $0x0  }
0x90: {  	s28 =	sadd.s32 $0x600, s25;
	[sflag:s1] =	ssyncadd.s32 $0xFFFF8000  }
0x91: {  	[tilespmem:s24], [sflag:$0x1] =	stream.indirect.gather [spmem:s3], $0x40, s28, s15, $0xb8;
	[tilespmem:$0x1E400] =	vst v63  }
0x92: {  	s28 =	sadd.s32 $0x680, s25  }
0x93: {  	[tilespmem:s26], [sflag:$0x1] =	stream.indirect.gather [spmem:s3], $0x40, s28, s15, $0xb8;
	[tilespmem:$0x1E400] =	vst v63  }
.Ltmp0:
0x94: {  	s28 =	sadd.s32 $0x700, s25;
	(pc) =	sbr.rel @p0 .LBB2_2-.Ltmp0, $4  }
0x95: {  	[tilespmem:s29], [sflag:$0x1] =	stream.indirect.gather [spmem:s3], $0x40, s28, s15, $0xb8;
	[tilespmem:$0x1E400] =	vst v63  }
0x96: {  	s25 =	sadd.s32 $0x780, s25;
	s28 =	sshrl.u32 s23, $0x3  }
0x97: {  	[tilespmem:s31], [sflag:$0x1] =	stream.indirect.gather [spmem:s3], $0x40, s25, s15, $0xb8;
	[tilespmem:$0x1E400] =	vst v63  }
0x98: {  	s20 =	sadd.s32 $0x2000, s20;
	s23 =	sadd.s32 $0x10000, s23;
	s25 =	sadd.s32 s2, s28  }
0x99: {  	[hbm4b:s25+s4] =	stream.linear.scatter [tilespmem:s16], [sflag:$0x2], $0x8000, $0x38;
	[tilespmem:$0x1E400] =	vst v63  }
0x9a: {  	_ =	swait.ge [sflag:s22], $0x2000  }
0x9b: {  	[sflag:s22] =	ssyncset.done $0x0  }
0x9c: {  	[sflag:s22] =	ssyncadd.s32 $0xFFFFE000  }
0x9d: {  	_ =	swait.ge [sflag:s22], $0x2000  }
0x9e: {  	[sflag:s22] =	ssyncset.done $0x0  }
0x9f: {  	[sflag:s22] =	ssyncadd.s32 $0xFFFFE000  }
0xa0: {  	_ =	swait.ge [sflag:s22], $0x2000  }
0xa1: {  	[sflag:s22] =	ssyncset.done $0x0  }
0xa2: {  	[sflag:s22] =	ssyncadd.s32 $0xFFFFE000  }
0xa3: {  	_ =	swait.ge [sflag:s22], $0x2000  }
0xa4: {  	[sflag:s22] =	ssyncset.done $0x0  }
0xa5: {  	[sflag:s22] =	ssyncadd.s32 $0xFFFFE000  }
0xa6: {  	s0 =	sadd.s32 $0x1, s0;
	_ =	swait.ge [sflag:s1], $0x8000  }
0xa7: {  	p0 =	sne.s32 s0, s10;
	[sflag:s1] =	ssyncset.done $0x0  }
.Ltmp1:
0xa8: {  	[sflag:s1] =	ssyncadd.s32 $0xFFFF8000;
	(pc) =	sbr.rel @p0 .LBB2_1-.Ltmp1, $4  }
0xa9: {  	[hbm4b:s9+s4] =	stream.linear.scatter [tilespmem:s24], [sflag:$0x2], $0x8000, $0x38;
	[tilespmem:$0x1E400] =	vst v63  }
0xaa: {  	_ =	swait.ge [sflag:s1], $0x8000  }
0xab: {  	[sflag:s1] =	ssyncset.done $0x0  }
0xac: {  	[sflag:s1] =	ssyncadd.s32 $0xFFFF8000  }
0xad: {  	_ =	sfence.sel $0x180000  }
0xae: {  	[bflag:$0x0] =	sbarrier.arrive $0xFFFF  }
0xaf: {  	_ =	strace $0x90000047  }
0xb0: {  	s0 =	stileid.u32;
	[bflag:$0x2] =	sbarrier.arrive $0xFFFF  }
0xb1: {  	p0 =	sne.s32 s0, $0x0;
	s0 =	rddreg [dreg:$0x3]  }
0xb2: {  	s0 =	sadd.s32 @!p0 $0x100000, s0  }
0xb3: {  	[sflag:s0] =	ssyncadd.tile.s32 @!p0 $0x1;
	_ =	shalt  }
.Lfunc_end2:
_tile_overlayer_lowered:
.L_overlay_start_2:
0xb4: {  	(tag) =	ssettag $0x2  }
0xb5: {  	s0 =	rddreg [dreg:$0x0];
	s2 =	stileid.u32  }
0xb6: {  	s1 =	rddreg [dreg:$0x1];
	p0 =	sne.s32 s2, $0x0  }
0xb7: {  	s3 =	rddreg [dreg:$0x2];
	[bflag:$0x3] =	sbarrier.arrive $0xFFFF;
	s2 =	simm.s32 @!p0 $0x1C03  }
0xb8: {  	[timem:s3], [sflag:s2] =	dma.local @!p0 [hbm:s0], s1  }
0xb9: {  	s0 =	simm.s32 @!p0 $0x3  }
0xba: {  	_ =	swait.ge @!p0 [sflag:s0], s1  }
0xbb: {  	s1 =	ssub.s32 @!p0 $0x0, s1;
	[sflag:s0] =	ssyncset.done @!p0 $0x0  }
0xbc: {  	[sflag:s0] =	ssyncadd.s32 @!p0 s1  }
0xbd: {  	[bflag:$0x3] =	sbarrier.arrive $0xFFFF  }
0xbe: {  	_ =	shalt  }

// kernel: sparse-core-data-format-call.cloned.1.call-start
scs
called_computation_lowered:
.L_overlay_start_0:
0x0: {  	s2 =	sld [smem:$0x3FD9]  }
0x1: {  	s3 =	sld [smem:$0x3FFE];
	_ =	sdelay $0x1  }
0x2: {  	s1 =	srdreg.scid  }
0x3: {  	s0 =	sand.u32 $0x1, s1  }
0x4: {  	s18 =	sshll.u32 s0, $0xA;
	s2 =	sadd.s32 s3, s2  }
0x5: {  	s2 =	sadd.s32 s2, s18  }
0x6: {  	[smem:$0x3FC6] =	sst s2  }
0x7: {  	_ = 	snop  }
0x8: {  	s2 =	sld [smem:$0x3FD0];
	(tm) =	ssettm $0x1  }
0x9: {  	s19 =	sld [smem:$0x3FFB];
	_ =	sdelay $0x3  }
0xa: {  	_ =	strace s19  }
0xb: {  	s3 =	sld [smem:$0x3FFC];
	_ =	sdelay $0x3  }
0xc: {  	_ =	strace s3  }
0xd: {  	s3 =	sld [smem:$0x3FFD];
	_ =	sdelay $0x3  }
0xe: {  	_ =	strace s3  }
0xf: {  	_ =	strace $0x8FFFFFFF  }
0x10: {  	s20 =	sld [smem:$0x3FDB];
	_ =	sdelay $0x1  }
0x11: {  	s4 =	simm.s32 $_scs_section_size  }
0x12: {  	s5 =	simm.s32 $_size__tile_overlayer_lowered;
	s6 =	simm.s32 $_tile_overlayer_lowered  }
0x13: {  	s23 =	simm.s32 $0x1BFF;
	s22 =	sshll.u32 s6, $0x1;
	s3 =	sadd.s32 s4, s20  }
0x14: {  	s7 =	simm.s32 $0x0;
	s21 =	sshll.u32 s5, $0x1;
	s5 =	sadd.s32 s22, s3  }
0x15: {  	[timem:s7], [sflag:s23] =	dma.local [hbm:s5], s21  }
0x16: {  	_ =	swait.ge [sflag:s23], s21  }
0x17: {  	s4 =	ssub.s32 $0x0, s21;
	[sflag:s23] =	ssyncset.done $0x0  }
0x18: {  	[sflag:s23] =	ssyncadd.s32 s4;
	_ =	sdelay $0x1  }
0x19: {  	s24 =	simm.s32 $0x1B8B  }
0x1a: {  	_ =	swait.ge [sflag:s24], $0x1  }
0x1b: {  	[sflag:s24] =	ssyncset.done $0x0  }
0x1c: {  	s26 =	simm.s32 $0x1B8E;
	s25 =	sld [smem:$0x3FFE];
	[sflag:s24] =	ssyncadd.s32 $0xFFFFFFFF  }
0x1d: {  	s27 =	simm.s32 $execute0_lowered;
	[smem:$0x3FD2] =	sst s26  }
0x1e: {  	s5 =	sshll.u32 s27, $0x1;
	_ =	strace $0x80000049;
	[dreg:$0x1] =	wrdreg $0xFFFFFFFF  }
0x1f: {  	s28 =	simm.s32 $_size_execute0_lowered;
	s3 =	sadd.s32 s3, s5;
	[dreg:$0x0] =	wrdreg $0x0  }
0x20: {  	s5 =	sshll.u32 s28, $0x1;
	[dreg:$0x2] =	wrdreg s3  }
0x21: {  	[dreg:$0x3] =	wrdreg s5  }
0x22: {  	[dreg:$0x4] =	wrdreg $0xC0  }
0x23: {  	_ =	task [dreg:s7], $0x5FFFF  }
0x24: {  	[dreg:$0x1] =	wrdreg $0xFFFFFFFF  }
0x25: {  	[dreg:$0x0] =	wrdreg $0x60  }
0x26: {  	[dreg:$0x2] =	wrdreg s25  }
0x27: {  	[dreg:$0x3] =	wrdreg s2  }
0x28: {  	[dreg:$0x4] =	wrdreg $0x9  }
0x29: {  	_ =	task.clear_ibuf [dreg:s7], $0x5FFFF;
	_ =	strace $0x90000049  }
0x2a: {  	s29 =	simm.s32 $0x9;
	_ =	strace $0x8000004B  }
0x2b: {  	_ =	swait.ge [sflag:s29], $0x1  }
0x2c: {  	[sflag:s29] =	ssyncadd.s32 $0xFFFFFFFF  }
0x2d: {  	_ =	strace $0x9000004B  }
0x2e: {  	_ =	sfence  }
0x2f: {  	s30 =	sld [smem:$0x0];
	_ =	sdelay $0x2  }
0x30: {  	s31 =	sshll.u32 s1, $0xD;
	s1 =	sshrl.u32 s1, $0x2  }
0x31: {  	s3 =	sand.u32 $0x4000, s31;
	s1 =	sadd.s32 s1, s30  }
0x32: {  	s0 =	sor.u32 s3, s0;
	s1 =	sshll.u32 s1, $0x11  }
0x33: {  	s0 =	sor.u32 s1, s0  }
0x34: {  	s0 =	sadd.s32 $0x8F2B, s0  }
0x35: {  	[sflag:s0] =	ssyncadd.remote.s32 $0x1  }
0x36: {  	_ =	sfence.sel $0xFFFF  }
0x37: {  	[dreg:$0x0] =	wrdreg $0xFFFFFFFF;
	(pc) =	sbr.abs _section_cstart, $3  }
0x38: {  	[dreg:$0x1] =	wrdreg $0xFFFFFFFF  }
0x39: {  	_ =	task.clear_ibuf [dreg:s7], $0x2FFFF;
	_ =	strace $0x9FFFFFFF  }
0x3a: {  	(tm) =	ssettm $0x7FFFFFFF  }
0x3b: {  	_ =	shalt  }
tec
execute0_lowered:
.L_overlay_start_1:
0x0: {  	(tag) =	ssettag $0x1  }
0x1: {  	s0 =	srdreg.scid  }
0x2: {  	s1 =	sshll.u32 s0, $0x4  }
0x3: {  	s0 =	stileid.u32;
	s1 =	sand.u32 $0x10, s1  }
0x4: {  	s1 =	sor.u32 s0, s1  }
0x5: {  	s6 =	rddreg [dreg:$0x0];
	s4 =	simm.s32 $0x1;
	s2 =	sshll.u32 s1, $0x7  }
0x6: {  	s7 =	simm.s32 $0x2;
	s12 =	simm.s32 $0x0;
	s1 =	ssub.s32 $0x1000, s2  }
0x7: {  	s8 =	simm.s32 $0x8000;
	s13 =	simm.s32 $0x0;
	s3 =	sand.u32 $0xF80, s1  }
0x8: {  	s9 =	simm.s32 $0x0;
	s5 =	sshrl.u32 s1, $0xC;
	p0 =	sne.s32 s3, $0x0  }
.Ltmp0:
0x9: {  	s1 =	rddreg [dreg:$0x2];
	s4 =	simm.s32 @!p0 $0x0;
	(pc) =	sbr.rel .LBB1_1-.Ltmp0, $4  }
0xa: {  	s11 =	simm.s32 $0x0;
	s3 =	rddreg [dreg:$0x1];
	s5 =	sadd.s32 s4, s5  }
0xb: {  	_ =	strace $0x8000004A;
	s4 =	simm.s32 $0x1;
	s5 =	smul.u32 $0xC8, s5  }
0xc: {  	s6 =	sadd.s32 $0xA00, s6;
	s10 =	smov.u32 s2;
	[sflag:s4] =	ssyncpa.u1 $0x0  }
0xd: {  	p0 =	por $0x0, $0x0;
	[sflag:s7] =	ssyncpa.u1 $0x0;
	s7 =	sor.u32 $0x1, s5  }
.LBB1_4:
0xe: {  	s16 =	sshll.u32 s13, $0x3;
	s17 =	sand.u32 $0x78, s13  }
0xf: {  	s30 =	sand.u32 $0x7E00, s13;
	s12 =	sshll.u32 s12, $0xF;
	s16 =	sand.u32 $0xC00, s16  }
0x10: {  	[tilespmem:s15+$0x810 ss:$0x81] =	vst.msk $0xffff, v2;
	s31 =	sand.u32 $0x7, s13;
	s16 =	sor.u32 s17, s16;
	s17 =	sadd.s32 s3, s30  }
0x11: {  	[tilespmem:s15+$0x1020 ss:$0x81] =	vst.msk $0xffff, v0;
	s13 =	sshll.u32 s31, $0x12;
	s12 =	sadd.s32 s12, s17;
	s16 =	sshrl.u32 s16, $0x3  }
0x12: {  	[tilespmem:s15+$0x0 ss:$0x81] =	vst.msk $0xffff, v1;
	s13 =	sor.u32 $0x400, s13;
	s12 =	sadd.s32 s16, s12  }
0x13: {  	[hbm4b:s12+s13] =	stream.strided.scatter [tilespmem:s14], [sflag:$0x2], $0x2000, s8, s13, $0x20;
	[tilespmem:$0x8080] =	vst v63  }
.LBB1_5:
0x14: {  	s14 =	sadd.s32 $0x1, s9  }
0x15: {  	s12 =	sadd.s32 $0x1000, s10;
	s16 =	smov.u32 s10;
	p2 =	sgt.s32 s14, $0xC7  }
0x16: {  	s16 =	smov.u32 @p2 s12  }
0x17: {  	s14 =	simm.s32 @p2 $0x0;
	p2 =	sgt.s32 s16, $0xFFF  }
0x18: {  	s16 =	smov.u32 @p2 s2;
	p2 =	sne.s32 s11, s7  }
.Ltmp1:
0x19: {  	p1 =	slt.u32 s11, $0x2;
	(pc) =	sbr.rel @!p2 .LBB1_6-.Ltmp1, $4  }
0x1a: {  	s15 =	simm.s32 @!p1 $0x2  }
0x1b: {  	s13 =	smov.u32 s10;
	p0 =	por !p0, !p0;
	_ =	swait.ge @!p1 [sflag:s15], $0x2000  }
0x1c: {  	s12 =	smov.u32 s9;
	[sflag:s15] =	ssyncset.done @!p1 $0x0;
	s9 =	smov.u32 s14  }
0x1d: {  	s11 =	sadd.s32 $0x1, s11;
	[sflag:s15] =	ssyncadd.s32 @!p1 $0xFFFFE000;
	s10 =	smov.u32 s16  }
.LBB1_1:
0x1e: {  	p1 =	sge.u32 s11, s5  }
0x1f: {  	s14 =	sand.u32 @!p1 $0x1FFFFFF, s9  }
0x20: {  	s15 =	smulhi.u32 @!p1 $0x147AE15, s14;
	_ =	sdelay $0x1  }
0x21: {  	s15 =	smul.u32 @!p1 $0xC8, s15  }
0x22: {  	s16 =	sxor.u32 @!p1 $0xFFFFFFFF, s11;
	s17 =	smul.u32 @!p1 $0xC80, s10  }
0x23: {  	s31 =	sadd.s32 $0xFFFFFFFF, s11;
	s16 =	sshll.u32 @!p1 s16, $0xD;
	s14 =	ssub.s32 @!p1 s14, s15  }
0x24: {  	s15 =	sand.u32 @!p1 $0x2000, s16;
	s16 =	sadd.s32 @!p1 s6, s17;
	s14 =	sshll.u32 @!p1 s14, $0x4  }
0x25: {  	s17 =	simm.s32 @!p1 $0x6400;
	s14 =	sadd.s32 @!p1 s14, s16;
	s16 =	simm.s32 @!p1 $0x40  }
0x26: {  	[tilespmem:s15], [sflag:$0x1] =	stream.strided.gather @!p1 [hbm4b:s14+s16], $0x2000, s17, s16, $0x38;
	[tilespmem:$0x8080] =	vst v63  }
0x27: {  	p1 =	sge.u32 s31, s5  }
.Ltmp2:
0x28: {  	_ = 	snop;
	(pc) =	sbr.rel @p1 .LBB1_5-.Ltmp2, $1  }
0x29: {  	_ =	sdelay $0x3  }
0x2a: {  	s14 =	simm.s32 $0x1  }
0x2b: {  	_ =	swait.ge [sflag:s4], $0x2000;
	s14 =	simm.s32 @!p0 $0x0  }
0x2c: {  	[sflag:s4] =	ssyncset.done $0x0;
	s15 =	sshll.u32 s14, $0xD  }
0x2d: {  	[sflag:s4] =	ssyncadd.s32 $0xFFFFE000;
	s18 =	sor.u32 $0x20, s15  }
0x2e: {  	s14 =	smul.u32 $0x8100, s14;
	v3 =	vld [tilespmem:s18+$0x10]  }
0x2f: {  	s30 =	sand.u32 $0x1, s11;
	v2 =	vld [tilespmem:s18+$0xFFFFFFF0]  }
0x30: {  	s15 =	smul.u32 $0x8100, s30;
	s14 =	sshrl.u32 s14, $0x2;
	v0 =	vld [tilespmem:s18+$0x0]  }
0x31: {  	v1 =	vld [tilespmem:s18+$0xFFFFFFE0];
	s16 =	sor.u32 $0x4000, s14  }
0x32: {  	s31 =	sshrl.u32 s15, $0x2;
	s15 =	sadd.s32 $0x0, s16  }
0x33: {  	s17 =	simm.s32 $0x4;
	s18 =	sadd.s32 $0x40, s18;
	s14 =	sor.u32 $0x4000, s31;
	[tilespmem:s15+$0x1830 ss:$0x81] =	vst.msk $0xffff, v3  }
.LBB1_3:
0x34: {  	v3 =	vld [tilespmem:s18+$0x10];
	p1 =	sne.s32 s17, $0x1FC;
	[tilespmem:s15+$0x810 ss:$0x81] =	vst.msk $0xffff, v2;
	s19 =	smov.u32 s17;
	s17 =	sadd.s32 $0x4, s17  }
.Ltmp3:
0x35: {  	v2 =	vld [tilespmem:s18+$0xFFFFFFF0];
	[tilespmem:s15+$0x1020 ss:$0x81] =	vst.msk $0xffff, v0;
	(pc) =	sbr.rel @p1 .LBB1_3-.Ltmp3, $4  }
0x36: {  	v0 =	vld [tilespmem:s18+$0x0];
	[tilespmem:s15+$0x0 ss:$0x81] =	vst.msk $0xffff, v1  }
0x37: {  	s15 =	sshra.s32 s19, $0x2;
	v1 =	vld [tilespmem:s18+$0xFFFFFFE0]  }
0x38: {  	s15 =	sadd.s32 s15, s16  }
0x39: {  	s18 =	sadd.s32 $0x40, s18;
	[tilespmem:s15+$0x1830 ss:$0x81] =	vst.msk $0xffff, v3  }
.Ltmp4:
0x3a: {  	_ = 	snop;
	(pc) =	sbr.rel .LBB1_4-.Ltmp4, $1  }
0x3b: {  	_ =	sdelay $0x3  }
.LBB1_6:
0x3c: {  	_ =	sfence.sel $0x180000  }
0x3d: {  	s2 =	simm.s32 $0x1;
	[bflag:$0x0] =	sbarrier.arrive $0xFFFF  }
0x3e: {  	s31 =	simm.s32 $0x2;
	[sflag:s2] =	ssyncpa.u1 $0x1  }
0x3f: {  	[sflag:s31] =	ssyncpa.u1 $0x1  }
0x40: {  	p0 =	sne.s32 s0, $0x0;
	_ =	strace $0x9000004A  }
0x41: {  	s0 =	sadd.s32 @!p0 $0x100000, s1;
	[bflag:$0x2] =	sbarrier.arrive $0xFFFF  }
0x42: {  	[sflag:s0] =	ssyncadd.tile.s32 @!p0 $0x1;
	_ =	shalt  }
.Lfunc_end1:
_tile_overlayer_lowered:
.L_overlay_start_2:
0x43: {  	(tag) =	ssettag $0x2  }
0x44: {  	s0 =	rddreg [dreg:$0x0];
	s2 =	stileid.u32  }
0x45: {  	s1 =	rddreg [dreg:$0x1];
	p0 =	sne.s32 s2, $0x0  }
0x46: {  	s3 =	rddreg [dreg:$0x2];
	[bflag:$0x3] =	sbarrier.arrive $0xFFFF;
	s2 =	simm.s32 @!p0 $0x1C01  }
0x47: {  	[timem:s3], [sflag:s2] =	dma.local @!p0 [hbm:s0], s1  }
0x48: {  	s0 =	simm.s32 @!p0 $0x1  }
0x49: {  	_ =	swait.ge @!p0 [sflag:s0], s1  }
0x4a: {  	s1 =	ssub.s32 @!p0 $0x0, s1;
	[sflag:s0] =	ssyncset.done @!p0 $0x0  }
0x4b: {  	[sflag:s0] =	ssyncadd.s32 @!p0 s1  }
0x4c: {  	[bflag:$0x3] =	sbarrier.arrive $0xFFFF  }
0x4d: {  	_ =	shalt  }

</sc_bundles>
